<compile_context>
chip_gen: v7x
topology: tpu7x:2x2x1
jax: 0.10.2.dev20260603
libtpu: 0.0.44.dev20260713+nightly
codegen_flags: <defaults>
</compile_context>

<pallas_src>
import functools

import jax
import jax.numpy as jnp
from jax import lax
from jax.experimental import pallas as pl
from jax.experimental.pallas import tpu as pltpu
from jax.experimental.pallas import tpu_sc as plsc

_LANES = 16
_SPLIT = 512000


def _rsqrt_newton(x):
    i = lax.bitcast_convert_type(x, jnp.int32)
    y = lax.bitcast_convert_type(jnp.int32(0x5F3759DF) - (i >> 1), jnp.float32)
    y = y * (1.5 - 0.5 * x * y * y)
    y = y * (1.5 - 0.5 * x * y * y)
    y = y * (1.5 - 0.5 * x * y * y)
    return y


def _lane_sum(x):
    idx = lax.iota(jnp.int32, _LANES)
    for sh in (8, 4, 2, 1):
        x = x + x.at[idx ^ sh].get(mode="promise_in_bounds")
    return x


def kernel(sids, weights):
    B = sids.shape[0]
    V, D = weights.shape
    assert D == 64

    info = plsc.get_sparse_core_info()
    num_workers = info.num_cores * info.num_subcores
    b_per_w = B // num_workers
    assert b_per_w * num_workers == B and b_per_w % 8 == 0

    mesh = plsc.VectorSubcoreMesh(core_axis_name="c", subcore_axis_name="s")

    @functools.partial(
        pl.kernel,
        mesh=mesh,
        compiler_params=pltpu.CompilerParams(use_tc_tiling_on_sc=False),
        out_type=jax.ShapeDtypeStruct((B, D), jnp.float32),
        scratch_types=[
            pltpu.VMEM((b_per_w,), jnp.int32),
            pltpu.VMEM((b_per_w, D), jnp.float32),
            pltpu.SemaphoreType.DMA,
        ],
    )
    def sc_kernel(sids_hbm, wa_hbm, wb_hbm, out_hbm, idx_v, rows_v, sem):
        wid = lax.axis_index("s") * info.num_cores + lax.axis_index("c")
        base = wid * b_per_w
        pltpu.sync_copy(sids_hbm.at[pl.ds(base, b_per_w)], idx_v)

        def fire(g, carry):
            vec = idx_v[pl.ds(g * _LANES, _LANES)]
            for j in range(_LANES):
                row = vec[j]
                dst = rows_v.at[pl.ds(g * _LANES + j, 1)]

                @pl.when(row < _SPLIT)
                def _():
                    pltpu.async_copy(wa_hbm.at[pl.ds(row, 1)], dst, sem)

                @pl.when(row >= _SPLIT)
                def _():
                    pltpu.async_copy(wb_hbm.at[pl.ds(row - _SPLIT, 1)], dst, sem)

            return carry

        lax.fori_loop(0, b_per_w // _LANES, fire, 0)

        def drain_and_normalize(r, carry):
            pltpu.make_async_copy(
                wa_hbm.at[pl.ds(0, 1)], rows_v.at[pl.ds(r, 1)], sem
            ).wait()
            v0 = rows_v[r, pl.ds(0, _LANES)]
            v1 = rows_v[r, pl.ds(_LANES, _LANES)]
            v2 = rows_v[r, pl.ds(2 * _LANES, _LANES)]
            v3 = rows_v[r, pl.ds(3 * _LANES, _LANES)]
            ss = v0 * v0 + v1 * v1 + v2 * v2 + v3 * v3
            s = _lane_sum(ss)
            x = jnp.maximum(s, 1e-30)
            norm = x * _rsqrt_newton(x)
            scale = 1.0 / jnp.maximum(norm, 1e-12)
            rows_v[r, pl.ds(0, _LANES)] = v0 * scale
            rows_v[r, pl.ds(_LANES, _LANES)] = v1 * scale
            rows_v[r, pl.ds(2 * _LANES, _LANES)] = v2 * scale
            rows_v[r, pl.ds(3 * _LANES, _LANES)] = v3 * scale
            return carry

        lax.fori_loop(0, b_per_w, drain_and_normalize, 0)
        pltpu.sync_copy(rows_v, out_hbm.at[pl.ds(base, b_per_w)])

    return sc_kernel(sids.astype(jnp.int32), weights[:_SPLIT], weights[_SPLIT:])

# --- scband reference (transcript-rebuilt; emitter-appended) ---
"""Pipeline reference for scband-neko-sampled-sementic-branch-20100446945726 (READ-ONLY COPY).

The authoritative reference and input builder live on the scoring server;
editing this copy changes nothing except your own understanding.
"""

import jax, jax.numpy as jnp
import numpy as np

CAPACITY = 1000000
FEAT_CH = 64
BATCH = 16384


def setup_inputs(seed: int = 0) -> dict:
    key = jax.random.key(seed)
    k1, k2 = jax.random.split(key)
    sids = jax.random.randint(k1, (BATCH,), 0, CAPACITY, dtype=jnp.int64 if jax.config.jax_enable_x64 else jnp.int32)
    weights = jax.random.uniform(k2, (CAPACITY, FEAT_CH), dtype=jnp.float32) * 2.0 - 1.0
    return {"sids": sids, "weights": weights}


def reference(sids, weights):
    # sample: gather rows then L2-normalize along last dim (torch F.normalize, eps=1e-12)
    gathered = jnp.take(weights, sids, axis=0)
    norm = jnp.linalg.norm(gathered, axis=-1, keepdims=True)
    return gathered / jnp.maximum(norm, 1e-12)

if __name__ == "__main__":
    import jax
    _d = setup_inputs()
    print(jax.jit(kernel)(*tuple(_d.values())))

</pallas_src>

<mosaic_0001>
#map = affine_map<(d0, d1) -> (0)>
#map1 = affine_map<(d0, d1) -> (0, 0)>
module attributes {stable_mosaic.version = 14 : i64} {
  func.func @sc_kernel(%arg0: i32, %arg1: i32, %arg2: memref<16384xi32, #tpu.memory_space<hbm>>, %arg3: memref<512000x64xf32, #tpu.memory_space<hbm>>, %arg4: memref<488000x64xf32, #tpu.memory_space<hbm>>, %arg5: memref<16384x64xf32, #tpu.memory_space<hbm>>, %arg6: memref<512xi32, #tpu.memory_space<vmem>>, %arg7: memref<512x64xf32, #tpu.memory_space<vmem>>, %arg8: memref<!tpu.dma_semaphore, #tpu.memory_space<semaphore_mem>>) attributes {dimension_semantics = [#tpu.dimension_semantics<core_parallel>, #tpu.dimension_semantics<subcore_parallel>], iteration_bounds = array<i64: 2, 16>, scalar_prefetch = 0 : i64, scratch_operands = 3 : i64, tpu.core_type = #tpu.core_type<sc_vector_subcore>, window_params = [{transform_indices = #map}, {transform_indices = #map1}, {transform_indices = #map1}, {transform_indices = #map1}]} {
    %mul3A = arith.constant 2 : i32
    %mul3A_0 = arith.muli %arg1, %mul3A : i32
    %add3A = arith.addi %mul3A_0, %arg0 : i32
    %mul3A_1 = arith.constant 512 : i32
    %mul3A_2 = arith.muli %add3A, %mul3A_1 : i32
    "tpu.region"() ({
      %run_scoped3A = tpu.sem_alloc : memref<!tpu.dma_semaphore, #tpu.memory_space<semaphore_mem>>
      %dma_start3A = tpu.memref_slice %arg2[%mul3A_2] : memref<16384xi32, #tpu.memory_space<hbm>> -> memref<512xi32, #tpu.memory_space<hbm>>
      %dma_start3A_14 = tpu.memref_slice %arg2[%mul3A_2] : memref<16384xi32, #tpu.memory_space<hbm>> -> memref<512xi32, #tpu.memory_space<hbm>>
      tpu.enqueue_dma source(%dma_start3A_14 : memref<512xi32, #tpu.memory_space<hbm>>) target(%arg6 : memref<512xi32, #tpu.memory_space<vmem>>) target_semaphore(%run_scoped3A : memref<!tpu.dma_semaphore, #tpu.memory_space<semaphore_mem>>)
      %dma_wait3A = tpu.memref_slice %arg2[%mul3A_2] : memref<16384xi32, #tpu.memory_space<hbm>> -> memref<512xi32, #tpu.memory_space<hbm>>
      %dma_wait3A_15 = tpu.memref_slice %arg2[%mul3A_2] : memref<16384xi32, #tpu.memory_space<hbm>> -> memref<512xi32, #tpu.memory_space<hbm>>
      tpu.wait_dma2 semaphore(%run_scoped3A : memref<!tpu.dma_semaphore, #tpu.memory_space<semaphore_mem>>) src(%dma_wait3A_15 : memref<512xi32, #tpu.memory_space<hbm>>) dst(%arg6 : memref<512xi32, #tpu.memory_space<vmem>>)
      tpu.yield
    }) : () -> ()
    %scan3A = arith.constant 0 : i32
    %scan3A_3 = arith.constant 0 : i32
    %scan3A_4 = arith.constant 32 : i32
    %scan3A_5 = arith.addi %scan3A_3, %scan3A_4 : i32
    %scan3A_6 = arith.constant 1 : i32
    scf.for %scan3A_14 = %scan3A_3 to %scan3A_5 step %scan3A_6  : i32 {
      %mul3A_15 = arith.constant 16 : i32
      %mul3A_16 = arith.muli %scan3A_14, %mul3A_15 : i32
      %get3A = arith.index_cast %mul3A_16 : i32 to index
      %get3A_17 = tpu.vector_load %arg6[%get3A] {strides = array<i32>} : memref<512xi32, #tpu.memory_space<vmem>>, vector<16xi32>,
      %get3A_18 = vector.shape_cast %get3A_17 : vector<16xi32> to vector<16xi32>
      %slice3A = vector.extract_strided_slice %get3A_18 {offsets = [0], sizes = [1], strides = [1]} : vector<16xi32> to vector<1xi32>
      %squeeze3A = vector.extract %slice3A[0] : i32 from vector<1xi32>
      %mul3A_19 = arith.constant 16 : i32
      %mul3A_20 = arith.muli %scan3A_14, %mul3A_19 : i32
      %add3A_21 = arith.constant 0 : i32
      %add3A_22 = arith.addi %mul3A_20, %add3A_21 : i32
      %lt3A = arith.constant 512000 : i32
      %lt3A_23 = arith.cmpi slt, %squeeze3A, %lt3A : i32
      %convert_element_type3A = arith.extui %lt3A_23 : i1 to i32
      %cond3A = arith.constant 0 : i32
      %cond3A_24 = arith.cmpi ne, %convert_element_type3A, %cond3A : i32
      scf.if %cond3A_24 {
        %dma_start3A = arith.constant 0 : i32
        %dma_start3A_269 = tpu.memref_slice %arg7[%add3A_22, %dma_start3A] : memref<512x64xf32, #tpu.memory_space<vmem>> -> memref<1x64xf32, #tpu.memory_space<vmem>>
        %dma_start3A_270 = arith.constant 0 : i32
        %dma_start3A_271 = tpu.memref_slice %arg3[%squeeze3A, %dma_start3A_270] : memref<512000x64xf32, #tpu.memory_space<hbm>> -> memref<1x64xf32, #tpu.memory_space<hbm>>
        %dma_start3A_272 = arith.constant 0 : i32
        %dma_start3A_273 = tpu.memref_slice %arg7[%add3A_22, %dma_start3A_272] : memref<512x64xf32, #tpu.memory_space<vmem>> -> memref<1x64xf32, #tpu.memory_space<vmem>>
        %dma_start3A_274 = arith.constant 0 : i32
        %dma_start3A_275 = tpu.memref_slice %arg3[%squeeze3A, %dma_start3A_274] : memref<512000x64xf32, #tpu.memory_space<hbm>> -> memref<1x64xf32, #tpu.memory_space<hbm>>
        tpu.enqueue_dma source(%dma_start3A_275 : memref<1x64xf32, #tpu.memory_space<hbm>>) target(%dma_start3A_273 : memref<1x64xf32, #tpu.memory_space<vmem>>) target_semaphore(%arg8 : memref<!tpu.dma_semaphore, #tpu.memory_space<semaphore_mem>>)
      } else {
      }
      %ge3A = arith.constant 512000 : i32
      %ge3A_25 = arith.cmpi sge, %squeeze3A, %ge3A : i32
      %convert_element_type3A_26 = arith.extui %ge3A_25 : i1 to i32
      %cond3A_27 = arith.constant 0 : i32
      %cond3A_28 = arith.cmpi ne, %convert_element_type3A_26, %cond3A_27 : i32
      scf.if %cond3A_28 {
        %sub3A = arith.constant 512000 : i32
        %sub3A_269 = arith.subi %squeeze3A, %sub3A : i32
        %dma_start3A = arith.constant 0 : i32
        %dma_start3A_270 = tpu.memref_slice %arg7[%add3A_22, %dma_start3A] : memref<512x64xf32, #tpu.memory_space<vmem>> -> memref<1x64xf32, #tpu.memory_space<vmem>>
        %dma_start3A_271 = arith.constant 0 : i32
        %dma_start3A_272 = tpu.memref_slice %arg4[%sub3A_269, %dma_start3A_271] : memref<488000x64xf32, #tpu.memory_space<hbm>> -> memref<1x64xf32, #tpu.memory_space<hbm>>
        %dma_start3A_273 = arith.constant 0 : i32
        %dma_start3A_274 = tpu.memref_slice %arg7[%add3A_22, %dma_start3A_273] : memref<512x64xf32, #tpu.memory_space<vmem>> -> memref<1x64xf32, #tpu.memory_space<vmem>>
        %dma_start3A_275 = arith.constant 0 : i32
        %dma_start3A_276 = tpu.memref_slice %arg4[%sub3A_269, %dma_start3A_275] : memref<488000x64xf32, #tpu.memory_space<hbm>> -> memref<1x64xf32, #tpu.memory_space<hbm>>
        tpu.enqueue_dma source(%dma_start3A_276 : memref<1x64xf32, #tpu.memory_space<hbm>>) target(%dma_start3A_274 : memref<1x64xf32, #tpu.memory_space<vmem>>) target_semaphore(%arg8 : memref<!tpu.dma_semaphore, #tpu.memory_space<semaphore_mem>>)
      } else {
      }
      %slice3A_29 = vector.extract_strided_slice %get3A_18 {offsets = [1], sizes = [1], strides = [1]} : vector<16xi32> to vector<1xi32>
      %squeeze3A_30 = vector.extract %slice3A_29[0] : i32 from vector<1xi32>
      %mul3A_31 = arith.constant 16 : i32
      %mul3A_32 = arith.muli %scan3A_14, %mul3A_31 : i32
      %add3A_33 = arith.constant 1 : i32
      %add3A_34 = arith.addi %mul3A_32, %add3A_33 : i32
      %lt3A_35 = arith.constant 512000 : i32
      %lt3A_36 = arith.cmpi slt, %squeeze3A_30, %lt3A_35 : i32
      %convert_element_type3A_37 = arith.extui %lt3A_36 : i1 to i32
      %cond3A_38 = arith.constant 0 : i32
      %cond3A_39 = arith.cmpi ne, %convert_element_type3A_37, %cond3A_38 : i32
      scf.if %cond3A_39 {
        %dma_start3A = arith.constant 0 : i32
        %dma_start3A_269 = tpu.memref_slice %arg7[%add3A_34, %dma_start3A] : memref<512x64xf32, #tpu.memory_space<vmem>> -> memref<1x64xf32, #tpu.memory_space<vmem>>
        %dma_start3A_270 = arith.constant 0 : i32
        %dma_start3A_271 = tpu.memref_slice %arg3[%squeeze3A_30, %dma_start3A_270] : memref<512000x64xf32, #tpu.memory_space<hbm>> -> memref<1x64xf32, #tpu.memory_space<hbm>>
        %dma_start3A_272 = arith.constant 0 : i32
        %dma_start3A_273 = tpu.memref_slice %arg7[%add3A_34, %dma_start3A_272] : memref<512x64xf32, #tpu.memory_space<vmem>> -> memref<1x64xf32, #tpu.memory_space<vmem>>
        %dma_start3A_274 = arith.constant 0 : i32
        %dma_start3A_275 = tpu.memref_slice %arg3[%squeeze3A_30, %dma_start3A_274] : memref<512000x64xf32, #tpu.memory_space<hbm>> -> memref<1x64xf32, #tpu.memory_space<hbm>>
        tpu.enqueue_dma source(%dma_start3A_275 : memref<1x64xf32, #tpu.memory_space<hbm>>) target(%dma_start3A_273 : memref<1x64xf32, #tpu.memory_space<vmem>>) target_semaphore(%arg8 : memref<!tpu.dma_semaphore, #tpu.memory_space<semaphore_mem>>)
      } else {
      }
      %ge3A_40 = arith.constant 512000 : i32
      %ge3A_41 = arith.cmpi sge, %squeeze3A_30, %ge3A_40 : i32
      %convert_element_type3A_42 = arith.extui %ge3A_41 : i1 to i32
      %cond3A_43 = arith.constant 0 : i32
      %cond3A_44 = arith.cmpi ne, %convert_element_type3A_42, %cond3A_43 : i32
      scf.if %cond3A_44 {
        %sub3A = arith.constant 512000 : i32
        %sub3A_269 = arith.subi %squeeze3A_30, %sub3A : i32
        %dma_start3A = arith.constant 0 : i32
        %dma_start3A_270 = tpu.memref_slice %arg7[%add3A_34, %dma_start3A] : memref<512x64xf32, #tpu.memory_space<vmem>> -> memref<1x64xf32, #tpu.memory_space<vmem>>
        %dma_start3A_271 = arith.constant 0 : i32
        %dma_start3A_272 = tpu.memref_slice %arg4[%sub3A_269, %dma_start3A_271] : memref<488000x64xf32, #tpu.memory_space<hbm>> -> memref<1x64xf32, #tpu.memory_space<hbm>>
        %dma_start3A_273 = arith.constant 0 : i32
        %dma_start3A_274 = tpu.memref_slice %arg7[%add3A_34, %dma_start3A_273] : memref<512x64xf32, #tpu.memory_space<vmem>> -> memref<1x64xf32, #tpu.memory_space<vmem>>
        %dma_start3A_275 = arith.constant 0 : i32
        %dma_start3A_276 = tpu.memref_slice %arg4[%sub3A_269, %dma_start3A_275] : memref<488000x64xf32, #tpu.memory_space<hbm>> -> memref<1x64xf32, #tpu.memory_space<hbm>>
        tpu.enqueue_dma source(%dma_start3A_276 : memref<1x64xf32, #tpu.memory_space<hbm>>) target(%dma_start3A_274 : memref<1x64xf32, #tpu.memory_space<vmem>>) target_semaphore(%arg8 : memref<!tpu.dma_semaphore, #tpu.memory_space<semaphore_mem>>)
      } else {
      }
      %slice3A_45 = vector.extract_strided_slice %get3A_18 {offsets = [2], sizes = [1], strides = [1]} : vector<16xi32> to vector<1xi32>
      %squeeze3A_46 = vector.extract %slice3A_45[0] : i32 from vector<1xi32>
      %mul3A_47 = arith.constant 16 : i32
      %mul3A_48 = arith.muli %scan3A_14, %mul3A_47 : i32
      %add3A_49 = arith.constant 2 : i32
      %add3A_50 = arith.addi %mul3A_48, %add3A_49 : i32
      %lt3A_51 = arith.constant 512000 : i32
      %lt3A_52 = arith.cmpi slt, %squeeze3A_46, %lt3A_51 : i32
      %convert_element_type3A_53 = arith.extui %lt3A_52 : i1 to i32
      %cond3A_54 = arith.constant 0 : i32
      %cond3A_55 = arith.cmpi ne, %convert_element_type3A_53, %cond3A_54 : i32
      scf.if %cond3A_55 {
        %dma_start3A = arith.constant 0 : i32
        %dma_start3A_269 = tpu.memref_slice %arg7[%add3A_50, %dma_start3A] : memref<512x64xf32, #tpu.memory_space<vmem>> -> memref<1x64xf32, #tpu.memory_space<vmem>>
        %dma_start3A_270 = arith.constant 0 : i32
        %dma_start3A_271 = tpu.memref_slice %arg3[%squeeze3A_46, %dma_start3A_270] : memref<512000x64xf32, #tpu.memory_space<hbm>> -> memref<1x64xf32, #tpu.memory_space<hbm>>
        %dma_start3A_272 = arith.constant 0 : i32
        %dma_start3A_273 = tpu.memref_slice %arg7[%add3A_50, %dma_start3A_272] : memref<512x64xf32, #tpu.memory_space<vmem>> -> memref<1x64xf32, #tpu.memory_space<vmem>>
        %dma_start3A_274 = arith.constant 0 : i32
        %dma_start3A_275 = tpu.memref_slice %arg3[%squeeze3A_46, %dma_start3A_274] : memref<512000x64xf32, #tpu.memory_space<hbm>> -> memref<1x64xf32, #tpu.memory_space<hbm>>
        tpu.enqueue_dma source(%dma_start3A_275 : memref<1x64xf32, #tpu.memory_space<hbm>>) target(%dma_start3A_273 : memref<1x64xf32, #tpu.memory_space<vmem>>) target_semaphore(%arg8 : memref<!tpu.dma_semaphore, #tpu.memory_space<semaphore_mem>>)
      } else {
      }
      %ge3A_56 = arith.constant 512000 : i32
      %ge3A_57 = arith.cmpi sge, %squeeze3A_46, %ge3A_56 : i32
      %convert_element_type3A_58 = arith.extui %ge3A_57 : i1 to i32
      %cond3A_59 = arith.constant 0 : i32
      %cond3A_60 = arith.cmpi ne, %convert_element_type3A_58, %cond3A_59 : i32
      scf.if %cond3A_60 {
        %sub3A = arith.constant 512000 : i32
        %sub3A_269 = arith.subi %squeeze3A_46, %sub3A : i32
        %dma_start3A = arith.constant 0 : i32
        %dma_start3A_270 = tpu.memref_slice %arg7[%add3A_50, %dma_start3A] : memref<512x64xf32, #tpu.memory_space<vmem>> -> memref<1x64xf32, #tpu.memory_space<vmem>>
        %dma_start3A_271 = arith.constant 0 : i32
        %dma_start3A_272 = tpu.memref_slice %arg4[%sub3A_269, %dma_start3A_271] : memref<488000x64xf32, #tpu.memory_space<hbm>> -> memref<1x64xf32, #tpu.memory_space<hbm>>
        %dma_start3A_273 = arith.constant 0 : i32
        %dma_start3A_274 = tpu.memref_slice %arg7[%add3A_50, %dma_start3A_273] : memref<512x64xf32, #tpu.memory_space<vmem>> -> memref<1x64xf32, #tpu.memory_space<vmem>>
        %dma_start3A_275 = arith.constant 0 : i32
        %dma_start3A_276 = tpu.memref_slice %arg4[%sub3A_269, %dma_start3A_275] : memref<488000x64xf32, #tpu.memory_space<hbm>> -> memref<1x64xf32, #tpu.memory_space<hbm>>
        tpu.enqueue_dma source(%dma_start3A_276 : memref<1x64xf32, #tpu.memory_space<hbm>>) target(%dma_start3A_274 : memref<1x64xf32, #tpu.memory_space<vmem>>) target_semaphore(%arg8 : memref<!tpu.dma_semaphore, #tpu.memory_space<semaphore_mem>>)
      } else {
      }
      %slice3A_61 = vector.extract_strided_slice %get3A_18 {offsets = [3], sizes = [1], strides = [1]} : vector<16xi32> to vector<1xi32>
      %squeeze3A_62 = vector.extract %slice3A_61[0] : i32 from vector<1xi32>
      %mul3A_63 = arith.constant 16 : i32
      %mul3A_64 = arith.muli %scan3A_14, %mul3A_63 : i32
      %add3A_65 = arith.constant 3 : i32
      %add3A_66 = arith.addi %mul3A_64, %add3A_65 : i32
      %lt3A_67 = arith.constant 512000 : i32
      %lt3A_68 = arith.cmpi slt, %squeeze3A_62, %lt3A_67 : i32
      %convert_element_type3A_69 = arith.extui %lt3A_68 : i1 to i32
      %cond3A_70 = arith.constant 0 : i32
      %cond3A_71 = arith.cmpi ne, %convert_element_type3A_69, %cond3A_70 : i32
      scf.if %cond3A_71 {
        %dma_start3A = arith.constant 0 : i32
        %dma_start3A_269 = tpu.memref_slice %arg7[%add3A_66, %dma_start3A] : memref<512x64xf32, #tpu.memory_space<vmem>> -> memref<1x64xf32, #tpu.memory_space<vmem>>
        %dma_start3A_270 = arith.constant 0 : i32
        %dma_start3A_271 = tpu.memref_slice %arg3[%squeeze3A_62, %dma_start3A_270] : memref<512000x64xf32, #tpu.memory_space<hbm>> -> memref<1x64xf32, #tpu.memory_space<hbm>>
        %dma_start3A_272 = arith.constant 0 : i32
        %dma_start3A_273 = tpu.memref_slice %arg7[%add3A_66, %dma_start3A_272] : memref<512x64xf32, #tpu.memory_space<vmem>> -> memref<1x64xf32, #tpu.memory_space<vmem>>
        %dma_start3A_274 = arith.constant 0 : i32
        %dma_start3A_275 = tpu.memref_slice %arg3[%squeeze3A_62, %dma_start3A_274] : memref<512000x64xf32, #tpu.memory_space<hbm>> -> memref<1x64xf32, #tpu.memory_space<hbm>>
        tpu.enqueue_dma source(%dma_start3A_275 : memref<1x64xf32, #tpu.memory_space<hbm>>) target(%dma_start3A_273 : memref<1x64xf32, #tpu.memory_space<vmem>>) target_semaphore(%arg8 : memref<!tpu.dma_semaphore, #tpu.memory_space<semaphore_mem>>)
      } else {
      }
      %ge3A_72 = arith.constant 512000 : i32
      %ge3A_73 = arith.cmpi sge, %squeeze3A_62, %ge3A_72 : i32
      %convert_element_type3A_74 = arith.extui %ge3A_73 : i1 to i32
      %cond3A_75 = arith.constant 0 : i32
      %cond3A_76 = arith.cmpi ne, %convert_element_type3A_74, %cond3A_75 : i32
      scf.if %cond3A_76 {
        %sub3A = arith.constant 512000 : i32
        %sub3A_269 = arith.subi %squeeze3A_62, %sub3A : i32
        %dma_start3A = arith.constant 0 : i32
        %dma_start3A_270 = tpu.memref_slice %arg7[%add3A_66, %dma_start3A] : memref<512x64xf32, #tpu.memory_space<vmem>> -> memref<1x64xf32, #tpu.memory_space<vmem>>
        %dma_start3A_271 = arith.constant 0 : i32
        %dma_start3A_272 = tpu.memref_slice %arg4[%sub3A_269, %dma_start3A_271] : memref<488000x64xf32, #tpu.memory_space<hbm>> -> memref<1x64xf32, #tpu.memory_space<hbm>>
        %dma_start3A_273 = arith.constant 0 : i32
        %dma_start3A_274 = tpu.memref_slice %arg7[%add3A_66, %dma_start3A_273] : memref<512x64xf32, #tpu.memory_space<vmem>> -> memref<1x64xf32, #tpu.memory_space<vmem>>
        %dma_start3A_275 = arith.constant 0 : i32
        %dma_start3A_276 = tpu.memref_slice %arg4[%sub3A_269, %dma_start3A_275] : memref<488000x64xf32, #tpu.memory_space<hbm>> -> memref<1x64xf32, #tpu.memory_space<hbm>>
        tpu.enqueue_dma source(%dma_start3A_276 : memref<1x64xf32, #tpu.memory_space<hbm>>) target(%dma_start3A_274 : memref<1x64xf32, #tpu.memory_space<vmem>>) target_semaphore(%arg8 : memref<!tpu.dma_semaphore, #tpu.memory_space<semaphore_mem>>)
      } else {
      }
      %slice3A_77 = vector.extract_strided_slice %get3A_18 {offsets = [4], sizes = [1], strides = [1]} : vector<16xi32> to vector<1xi32>
      %squeeze3A_78 = vector.extract %slice3A_77[0] : i32 from vector<1xi32>
      %mul3A_79 = arith.constant 16 : i32
      %mul3A_80 = arith.muli %scan3A_14, %mul3A_79 : i32
      %add3A_81 = arith.constant 4 : i32
      %add3A_82 = arith.addi %mul3A_80, %add3A_81 : i32
      %lt3A_83 = arith.constant 512000 : i32
      %lt3A_84 = arith.cmpi slt, %squeeze3A_78, %lt3A_83 : i32
      %convert_element_type3A_85 = arith.extui %lt3A_84 : i1 to i32
      %cond3A_86 = arith.constant 0 : i32
      %cond3A_87 = arith.cmpi ne, %convert_element_type3A_85, %cond3A_86 : i32
      scf.if %cond3A_87 {
        %dma_start3A = arith.constant 0 : i32
        %dma_start3A_269 = tpu.memref_slice %arg7[%add3A_82, %dma_start3A] : memref<512x64xf32, #tpu.memory_space<vmem>> -> memref<1x64xf32, #tpu.memory_space<vmem>>
        %dma_start3A_270 = arith.constant 0 : i32
        %dma_start3A_271 = tpu.memref_slice %arg3[%squeeze3A_78, %dma_start3A_270] : memref<512000x64xf32, #tpu.memory_space<hbm>> -> memref<1x64xf32, #tpu.memory_space<hbm>>
        %dma_start3A_272 = arith.constant 0 : i32
        %dma_start3A_273 = tpu.memref_slice %arg7[%add3A_82, %dma_start3A_272] : memref<512x64xf32, #tpu.memory_space<vmem>> -> memref<1x64xf32, #tpu.memory_space<vmem>>
        %dma_start3A_274 = arith.constant 0 : i32
        %dma_start3A_275 = tpu.memref_slice %arg3[%squeeze3A_78, %dma_start3A_274] : memref<512000x64xf32, #tpu.memory_space<hbm>> -> memref<1x64xf32, #tpu.memory_space<hbm>>
        tpu.enqueue_dma source(%dma_start3A_275 : memref<1x64xf32, #tpu.memory_space<hbm>>) target(%dma_start3A_273 : memref<1x64xf32, #tpu.memory_space<vmem>>) target_semaphore(%arg8 : memref<!tpu.dma_semaphore, #tpu.memory_space<semaphore_mem>>)
      } else {
      }
      %ge3A_88 = arith.constant 512000 : i32
      %ge3A_89 = arith.cmpi sge, %squeeze3A_78, %ge3A_88 : i32
      %convert_element_type3A_90 = arith.extui %ge3A_89 : i1 to i32
      %cond3A_91 = arith.constant 0 : i32
      %cond3A_92 = arith.cmpi ne, %convert_element_type3A_90, %cond3A_91 : i32
      scf.if %cond3A_92 {
        %sub3A = arith.constant 512000 : i32
        %sub3A_269 = arith.subi %squeeze3A_78, %sub3A : i32
        %dma_start3A = arith.constant 0 : i32
        %dma_start3A_270 = tpu.memref_slice %arg7[%add3A_82, %dma_start3A] : memref<512x64xf32, #tpu.memory_space<vmem>> -> memref<1x64xf32, #tpu.memory_space<vmem>>
        %dma_start3A_271 = arith.constant 0 : i32
        %dma_start3A_272 = tpu.memref_slice %arg4[%sub3A_269, %dma_start3A_271] : memref<488000x64xf32, #tpu.memory_space<hbm>> -> memref<1x64xf32, #tpu.memory_space<hbm>>
        %dma_start3A_273 = arith.constant 0 : i32
        %dma_start3A_274 = tpu.memref_slice %arg7[%add3A_82, %dma_start3A_273] : memref<512x64xf32, #tpu.memory_space<vmem>> -> memref<1x64xf32, #tpu.memory_space<vmem>>
        %dma_start3A_275 = arith.constant 0 : i32
        %dma_start3A_276 = tpu.memref_slice %arg4[%sub3A_269, %dma_start3A_275] : memref<488000x64xf32, #tpu.memory_space<hbm>> -> memref<1x64xf32, #tpu.memory_space<hbm>>
        tpu.enqueue_dma source(%dma_start3A_276 : memref<1x64xf32, #tpu.memory_space<hbm>>) target(%dma_start3A_274 : memref<1x64xf32, #tpu.memory_space<vmem>>) target_semaphore(%arg8 : memref<!tpu.dma_semaphore, #tpu.memory_space<semaphore_mem>>)
      } else {
      }
      %slice3A_93 = vector.extract_strided_slice %get3A_18 {offsets = [5], sizes = [1], strides = [1]} : vector<16xi32> to vector<1xi32>
      %squeeze3A_94 = vector.extract %slice3A_93[0] : i32 from vector<1xi32>
      %mul3A_95 = arith.constant 16 : i32
      %mul3A_96 = arith.muli %scan3A_14, %mul3A_95 : i32
      %add3A_97 = arith.constant 5 : i32
      %add3A_98 = arith.addi %mul3A_96, %add3A_97 : i32
      %lt3A_99 = arith.constant 512000 : i32
      %lt3A_100 = arith.cmpi slt, %squeeze3A_94, %lt3A_99 : i32
      %convert_element_type3A_101 = arith.extui %lt3A_100 : i1 to i32
      %cond3A_102 = arith.constant 0 : i32
      %cond3A_103 = arith.cmpi ne, %convert_element_type3A_101, %cond3A_102 : i32
      scf.if %cond3A_103 {
        %dma_start3A = arith.constant 0 : i32
        %dma_start3A_269 = tpu.memref_slice %arg7[%add3A_98, %dma_start3A] : memref<512x64xf32, #tpu.memory_space<vmem>> -> memref<1x64xf32, #tpu.memory_space<vmem>>
        %dma_start3A_270 = arith.constant 0 : i32
        %dma_start3A_271 = tpu.memref_slice %arg3[%squeeze3A_94, %dma_start3A_270] : memref<512000x64xf32, #tpu.memory_space<hbm>> -> memref<1x64xf32, #tpu.memory_space<hbm>>
        %dma_start3A_272 = arith.constant 0 : i32
        %dma_start3A_273 = tpu.memref_slice %arg7[%add3A_98, %dma_start3A_272] : memref<512x64xf32, #tpu.memory_space<vmem>> -> memref<1x64xf32, #tpu.memory_space<vmem>>
        %dma_start3A_274 = arith.constant 0 : i32
        %dma_start3A_275 = tpu.memref_slice %arg3[%squeeze3A_94, %dma_start3A_274] : memref<512000x64xf32, #tpu.memory_space<hbm>> -> memref<1x64xf32, #tpu.memory_space<hbm>>
        tpu.enqueue_dma source(%dma_start3A_275 : memref<1x64xf32, #tpu.memory_space<hbm>>) target(%dma_start3A_273 : memref<1x64xf32, #tpu.memory_space<vmem>>) target_semaphore(%arg8 : memref<!tpu.dma_semaphore, #tpu.memory_space<semaphore_mem>>)
      } else {
      }
      %ge3A_104 = arith.constant 512000 : i32
      %ge3A_105 = arith.cmpi sge, %squeeze3A_94, %ge3A_104 : i32
      %convert_element_type3A_106 = arith.extui %ge3A_105 : i1 to i32
      %cond3A_107 = arith.constant 0 : i32
      %cond3A_108 = arith.cmpi ne, %convert_element_type3A_106, %cond3A_107 : i32
      scf.if %cond3A_108 {
        %sub3A = arith.constant 512000 : i32
        %sub3A_269 = arith.subi %squeeze3A_94, %sub3A : i32
        %dma_start3A = arith.constant 0 : i32
        %dma_start3A_270 = tpu.memref_slice %arg7[%add3A_98, %dma_start3A] : memref<512x64xf32, #tpu.memory_space<vmem>> -> memref<1x64xf32, #tpu.memory_space<vmem>>
        %dma_start3A_271 = arith.constant 0 : i32
        %dma_start3A_272 = tpu.memref_slice %arg4[%sub3A_269, %dma_start3A_271] : memref<488000x64xf32, #tpu.memory_space<hbm>> -> memref<1x64xf32, #tpu.memory_space<hbm>>
        %dma_start3A_273 = arith.constant 0 : i32
        %dma_start3A_274 = tpu.memref_slice %arg7[%add3A_98, %dma_start3A_273] : memref<512x64xf32, #tpu.memory_space<vmem>> -> memref<1x64xf32, #tpu.memory_space<vmem>>
        %dma_start3A_275 = arith.constant 0 : i32
        %dma_start3A_276 = tpu.memref_slice %arg4[%sub3A_269, %dma_start3A_275] : memref<488000x64xf32, #tpu.memory_space<hbm>> -> memref<1x64xf32, #tpu.memory_space<hbm>>
        tpu.enqueue_dma source(%dma_start3A_276 : memref<1x64xf32, #tpu.memory_space<hbm>>) target(%dma_start3A_274 : memref<1x64xf32, #tpu.memory_space<vmem>>) target_semaphore(%arg8 : memref<!tpu.dma_semaphore, #tpu.memory_space<semaphore_mem>>)
      } else {
      }
      %slice3A_109 = vector.extract_strided_slice %get3A_18 {offsets = [6], sizes = [1], strides = [1]} : vector<16xi32> to vector<1xi32>
      %squeeze3A_110 = vector.extract %slice3A_109[0] : i32 from vector<1xi32>
      %mul3A_111 = arith.constant 16 : i32
      %mul3A_112 = arith.muli %scan3A_14, %mul3A_111 : i32
      %add3A_113 = arith.constant 6 : i32
      %add3A_114 = arith.addi %mul3A_112, %add3A_113 : i32
      %lt3A_115 = arith.constant 512000 : i32
      %lt3A_116 = arith.cmpi slt, %squeeze3A_110, %lt3A_115 : i32
      %convert_element_type3A_117 = arith.extui %lt3A_116 : i1 to i32
      %cond3A_118 = arith.constant 0 : i32
      %cond3A_119 = arith.cmpi ne, %convert_element_type3A_117, %cond3A_118 : i32
      scf.if %cond3A_119 {
        %dma_start3A = arith.constant 0 : i32
        %dma_start3A_269 = tpu.memref_slice %arg7[%add3A_114, %dma_start3A] : memref<512x64xf32, #tpu.memory_space<vmem>> -> memref<1x64xf32, #tpu.memory_space<vmem>>
        %dma_start3A_270 = arith.constant 0 : i32
        %dma_start3A_271 = tpu.memref_slice %arg3[%squeeze3A_110, %dma_start3A_270] : memref<512000x64xf32, #tpu.memory_space<hbm>> -> memref<1x64xf32, #tpu.memory_space<hbm>>
        %dma_start3A_272 = arith.constant 0 : i32
        %dma_start3A_273 = tpu.memref_slice %arg7[%add3A_114, %dma_start3A_272] : memref<512x64xf32, #tpu.memory_space<vmem>> -> memref<1x64xf32, #tpu.memory_space<vmem>>
        %dma_start3A_274 = arith.constant 0 : i32
        %dma_start3A_275 = tpu.memref_slice %arg3[%squeeze3A_110, %dma_start3A_274] : memref<512000x64xf32, #tpu.memory_space<hbm>> -> memref<1x64xf32, #tpu.memory_space<hbm>>
        tpu.enqueue_dma source(%dma_start3A_275 : memref<1x64xf32, #tpu.memory_space<hbm>>) target(%dma_start3A_273 : memref<1x64xf32, #tpu.memory_space<vmem>>) target_semaphore(%arg8 : memref<!tpu.dma_semaphore, #tpu.memory_space<semaphore_mem>>)
      } else {
      }
      %ge3A_120 = arith.constant 512000 : i32
      %ge3A_121 = arith.cmpi sge, %squeeze3A_110, %ge3A_120 : i32
      %convert_element_type3A_122 = arith.extui %ge3A_121 : i1 to i32
      %cond3A_123 = arith.constant 0 : i32
      %cond3A_124 = arith.cmpi ne, %convert_element_type3A_122, %cond3A_123 : i32
      scf.if %cond3A_124 {
        %sub3A = arith.constant 512000 : i32
        %sub3A_269 = arith.subi %squeeze3A_110, %sub3A : i32
        %dma_start3A = arith.constant 0 : i32
        %dma_start3A_270 = tpu.memref_slice %arg7[%add3A_114, %dma_start3A] : memref<512x64xf32, #tpu.memory_space<vmem>> -> memref<1x64xf32, #tpu.memory_space<vmem>>
        %dma_start3A_271 = arith.constant 0 : i32
        %dma_start3A_272 = tpu.memref_slice %arg4[%sub3A_269, %dma_start3A_271] : memref<488000x64xf32, #tpu.memory_space<hbm>> -> memref<1x64xf32, #tpu.memory_space<hbm>>
        %dma_start3A_273 = arith.constant 0 : i32
        %dma_start3A_274 = tpu.memref_slice %arg7[%add3A_114, %dma_start3A_273] : memref<512x64xf32, #tpu.memory_space<vmem>> -> memref<1x64xf32, #tpu.memory_space<vmem>>
        %dma_start3A_275 = arith.constant 0 : i32
        %dma_start3A_276 = tpu.memref_slice %arg4[%sub3A_269, %dma_start3A_275] : memref<488000x64xf32, #tpu.memory_space<hbm>> -> memref<1x64xf32, #tpu.memory_space<hbm>>
        tpu.enqueue_dma source(%dma_start3A_276 : memref<1x64xf32, #tpu.memory_space<hbm>>) target(%dma_start3A_274 : memref<1x64xf32, #tpu.memory_space<vmem>>) target_semaphore(%arg8 : memref<!tpu.dma_semaphore, #tpu.memory_space<semaphore_mem>>)
      } else {
      }
      %slice3A_125 = vector.extract_strided_slice %get3A_18 {offsets = [7], sizes = [1], strides = [1]} : vector<16xi32> to vector<1xi32>
      %squeeze3A_126 = vector.extract %slice3A_125[0] : i32 from vector<1xi32>
      %mul3A_127 = arith.constant 16 : i32
      %mul3A_128 = arith.muli %scan3A_14, %mul3A_127 : i32
      %add3A_129 = arith.constant 7 : i32
      %add3A_130 = arith.addi %mul3A_128, %add3A_129 : i32
      %lt3A_131 = arith.constant 512000 : i32
      %lt3A_132 = arith.cmpi slt, %squeeze3A_126, %lt3A_131 : i32
      %convert_element_type3A_133 = arith.extui %lt3A_132 : i1 to i32
      %cond3A_134 = arith.constant 0 : i32
      %cond3A_135 = arith.cmpi ne, %convert_element_type3A_133, %cond3A_134 : i32
      scf.if %cond3A_135 {
        %dma_start3A = arith.constant 0 : i32
        %dma_start3A_269 = tpu.memref_slice %arg7[%add3A_130, %dma_start3A] : memref<512x64xf32, #tpu.memory_space<vmem>> -> memref<1x64xf32, #tpu.memory_space<vmem>>
        %dma_start3A_270 = arith.constant 0 : i32
        %dma_start3A_271 = tpu.memref_slice %arg3[%squeeze3A_126, %dma_start3A_270] : memref<512000x64xf32, #tpu.memory_space<hbm>> -> memref<1x64xf32, #tpu.memory_space<hbm>>
        %dma_start3A_272 = arith.constant 0 : i32
        %dma_start3A_273 = tpu.memref_slice %arg7[%add3A_130, %dma_start3A_272] : memref<512x64xf32, #tpu.memory_space<vmem>> -> memref<1x64xf32, #tpu.memory_space<vmem>>
        %dma_start3A_274 = arith.constant 0 : i32
        %dma_start3A_275 = tpu.memref_slice %arg3[%squeeze3A_126, %dma_start3A_274] : memref<512000x64xf32, #tpu.memory_space<hbm>> -> memref<1x64xf32, #tpu.memory_space<hbm>>
        tpu.enqueue_dma source(%dma_start3A_275 : memref<1x64xf32, #tpu.memory_space<hbm>>) target(%dma_start3A_273 : memref<1x64xf32, #tpu.memory_space<vmem>>) target_semaphore(%arg8 : memref<!tpu.dma_semaphore, #tpu.memory_space<semaphore_mem>>)
      } else {
      }
      %ge3A_136 = arith.constant 512000 : i32
      %ge3A_137 = arith.cmpi sge, %squeeze3A_126, %ge3A_136 : i32
      %convert_element_type3A_138 = arith.extui %ge3A_137 : i1 to i32
      %cond3A_139 = arith.constant 0 : i32
      %cond3A_140 = arith.cmpi ne, %convert_element_type3A_138, %cond3A_139 : i32
      scf.if %cond3A_140 {
        %sub3A = arith.constant 512000 : i32
        %sub3A_269 = arith.subi %squeeze3A_126, %sub3A : i32
        %dma_start3A = arith.constant 0 : i32
        %dma_start3A_270 = tpu.memref_slice %arg7[%add3A_130, %dma_start3A] : memref<512x64xf32, #tpu.memory_space<vmem>> -> memref<1x64xf32, #tpu.memory_space<vmem>>
        %dma_start3A_271 = arith.constant 0 : i32
        %dma_start3A_272 = tpu.memref_slice %arg4[%sub3A_269, %dma_start3A_271] : memref<488000x64xf32, #tpu.memory_space<hbm>> -> memref<1x64xf32, #tpu.memory_space<hbm>>
        %dma_start3A_273 = arith.constant 0 : i32
        %dma_start3A_274 = tpu.memref_slice %arg7[%add3A_130, %dma_start3A_273] : memref<512x64xf32, #tpu.memory_space<vmem>> -> memref<1x64xf32, #tpu.memory_space<vmem>>
        %dma_start3A_275 = arith.constant 0 : i32
        %dma_start3A_276 = tpu.memref_slice %arg4[%sub3A_269, %dma_start3A_275] : memref<488000x64xf32, #tpu.memory_space<hbm>> -> memref<1x64xf32, #tpu.memory_space<hbm>>
        tpu.enqueue_dma source(%dma_start3A_276 : memref<1x64xf32, #tpu.memory_space<hbm>>) target(%dma_start3A_274 : memref<1x64xf32, #tpu.memory_space<vmem>>) target_semaphore(%arg8 : memref<!tpu.dma_semaphore, #tpu.memory_space<semaphore_mem>>)
      } else {
      }
      %slice3A_141 = vector.extract_strided_slice %get3A_18 {offsets = [8], sizes = [1], strides = [1]} : vector<16xi32> to vector<1xi32>
      %squeeze3A_142 = vector.extract %slice3A_141[0] : i32 from vector<1xi32>
      %mul3A_143 = arith.constant 16 : i32
      %mul3A_144 = arith.muli %scan3A_14, %mul3A_143 : i32
      %add3A_145 = arith.constant 8 : i32
      %add3A_146 = arith.addi %mul3A_144, %add3A_145 : i32
      %lt3A_147 = arith.constant 512000 : i32
      %lt3A_148 = arith.cmpi slt, %squeeze3A_142, %lt3A_147 : i32
      %convert_element_type3A_149 = arith.extui %lt3A_148 : i1 to i32
      %cond3A_150 = arith.constant 0 : i32
      %cond3A_151 = arith.cmpi ne, %convert_element_type3A_149, %cond3A_150 : i32
      scf.if %cond3A_151 {
        %dma_start3A = arith.constant 0 : i32
        %dma_start3A_269 = tpu.memref_slice %arg7[%add3A_146, %dma_start3A] : memref<512x64xf32, #tpu.memory_space<vmem>> -> memref<1x64xf32, #tpu.memory_space<vmem>>
        %dma_start3A_270 = arith.constant 0 : i32
        %dma_start3A_271 = tpu.memref_slice %arg3[%squeeze3A_142, %dma_start3A_270] : memref<512000x64xf32, #tpu.memory_space<hbm>> -> memref<1x64xf32, #tpu.memory_space<hbm>>
        %dma_start3A_272 = arith.constant 0 : i32
        %dma_start3A_273 = tpu.memref_slice %arg7[%add3A_146, %dma_start3A_272] : memref<512x64xf32, #tpu.memory_space<vmem>> -> memref<1x64xf32, #tpu.memory_space<vmem>>
        %dma_start3A_274 = arith.constant 0 : i32
        %dma_start3A_275 = tpu.memref_slice %arg3[%squeeze3A_142, %dma_start3A_274] : memref<512000x64xf32, #tpu.memory_space<hbm>> -> memref<1x64xf32, #tpu.memory_space<hbm>>
        tpu.enqueue_dma source(%dma_start3A_275 : memref<1x64xf32, #tpu.memory_space<hbm>>) target(%dma_start3A_273 : memref<1x64xf32, #tpu.memory_space<vmem>>) target_semaphore(%arg8 : memref<!tpu.dma_semaphore, #tpu.memory_space<semaphore_mem>>)
      } else {
      }
      %ge3A_152 = arith.constant 512000 : i32
      %ge3A_153 = arith.cmpi sge, %squeeze3A_142, %ge3A_152 : i32
      %convert_element_type3A_154 = arith.extui %ge3A_153 : i1 to i32
      %cond3A_155 = arith.constant 0 : i32
      %cond3A_156 = arith.cmpi ne, %convert_element_type3A_154, %cond3A_155 : i32
      scf.if %cond3A_156 {
        %sub3A = arith.constant 512000 : i32
        %sub3A_269 = arith.subi %squeeze3A_142, %sub3A : i32
        %dma_start3A = arith.constant 0 : i32
        %dma_start3A_270 = tpu.memref_slice %arg7[%add3A_146, %dma_start3A] : memref<512x64xf32, #tpu.memory_space<vmem>> -> memref<1x64xf32, #tpu.memory_space<vmem>>
        %dma_start3A_271 = arith.constant 0 : i32
        %dma_start3A_272 = tpu.memref_slice %arg4[%sub3A_269, %dma_start3A_271] : memref<488000x64xf32, #tpu.memory_space<hbm>> -> memref<1x64xf32, #tpu.memory_space<hbm>>
        %dma_start3A_273 = arith.constant 0 : i32
        %dma_start3A_274 = tpu.memref_slice %arg7[%add3A_146, %dma_start3A_273] : memref<512x64xf32, #tpu.memory_space<vmem>> -> memref<1x64xf32, #tpu.memory_space<vmem>>
        %dma_start3A_275 = arith.constant 0 : i32
        %dma_start3A_276 = tpu.memref_slice %arg4[%sub3A_269, %dma_start3A_275] : memref<488000x64xf32, #tpu.memory_space<hbm>> -> memref<1x64xf32, #tpu.memory_space<hbm>>
        tpu.enqueue_dma source(%dma_start3A_276 : memref<1x64xf32, #tpu.memory_space<hbm>>) target(%dma_start3A_274 : memref<1x64xf32, #tpu.memory_space<vmem>>) target_semaphore(%arg8 : memref<!tpu.dma_semaphore, #tpu.memory_space<semaphore_mem>>)
      } else {
      }
      %slice3A_157 = vector.extract_strided_slice %get3A_18 {offsets = [9], sizes = [1], strides = [1]} : vector<16xi32> to vector<1xi32>
      %squeeze3A_158 = vector.extract %slice3A_157[0] : i32 from vector<1xi32>
      %mul3A_159 = arith.constant 16 : i32
      %mul3A_160 = arith.muli %scan3A_14, %mul3A_159 : i32
      %add3A_161 = arith.constant 9 : i32
      %add3A_162 = arith.addi %mul3A_160, %add3A_161 : i32
      %lt3A_163 = arith.constant 512000 : i32
      %lt3A_164 = arith.cmpi slt, %squeeze3A_158, %lt3A_163 : i32
      %convert_element_type3A_165 = arith.extui %lt3A_164 : i1 to i32
      %cond3A_166 = arith.constant 0 : i32
      %cond3A_167 = arith.cmpi ne, %convert_element_type3A_165, %cond3A_166 : i32
      scf.if %cond3A_167 {
        %dma_start3A = arith.constant 0 : i32
        %dma_start3A_269 = tpu.memref_slice %arg7[%add3A_162, %dma_start3A] : memref<512x64xf32, #tpu.memory_space<vmem>> -> memref<1x64xf32, #tpu.memory_space<vmem>>
        %dma_start3A_270 = arith.constant 0 : i32
        %dma_start3A_271 = tpu.memref_slice %arg3[%squeeze3A_158, %dma_start3A_270] : memref<512000x64xf32, #tpu.memory_space<hbm>> -> memref<1x64xf32, #tpu.memory_space<hbm>>
        %dma_start3A_272 = arith.constant 0 : i32
        %dma_start3A_273 = tpu.memref_slice %arg7[%add3A_162, %dma_start3A_272] : memref<512x64xf32, #tpu.memory_space<vmem>> -> memref<1x64xf32, #tpu.memory_space<vmem>>
        %dma_start3A_274 = arith.constant 0 : i32
        %dma_start3A_275 = tpu.memref_slice %arg3[%squeeze3A_158, %dma_start3A_274] : memref<512000x64xf32, #tpu.memory_space<hbm>> -> memref<1x64xf32, #tpu.memory_space<hbm>>
        tpu.enqueue_dma source(%dma_start3A_275 : memref<1x64xf32, #tpu.memory_space<hbm>>) target(%dma_start3A_273 : memref<1x64xf32, #tpu.memory_space<vmem>>) target_semaphore(%arg8 : memref<!tpu.dma_semaphore, #tpu.memory_space<semaphore_mem>>)
      } else {
      }
      %ge3A_168 = arith.constant 512000 : i32
      %ge3A_169 = arith.cmpi sge, %squeeze3A_158, %ge3A_168 : i32
      %convert_element_type3A_170 = arith.extui %ge3A_169 : i1 to i32
      %cond3A_171 = arith.constant 0 : i32
      %cond3A_172 = arith.cmpi ne, %convert_element_type3A_170, %cond3A_171 : i32
      scf.if %cond3A_172 {
        %sub3A = arith.constant 512000 : i32
        %sub3A_269 = arith.subi %squeeze3A_158, %sub3A : i32
        %dma_start3A = arith.constant 0 : i32
        %dma_start3A_270 = tpu.memref_slice %arg7[%add3A_162, %dma_start3A] : memref<512x64xf32, #tpu.memory_space<vmem>> -> memref<1x64xf32, #tpu.memory_space<vmem>>
        %dma_start3A_271 = arith.constant 0 : i32
        %dma_start3A_272 = tpu.memref_slice %arg4[%sub3A_269, %dma_start3A_271] : memref<488000x64xf32, #tpu.memory_space<hbm>> -> memref<1x64xf32, #tpu.memory_space<hbm>>
        %dma_start3A_273 = arith.constant 0 : i32
        %dma_start3A_274 = tpu.memref_slice %arg7[%add3A_162, %dma_start3A_273] : memref<512x64xf32, #tpu.memory_space<vmem>> -> memref<1x64xf32, #tpu.memory_space<vmem>>
        %dma_start3A_275 = arith.constant 0 : i32
        %dma_start3A_276 = tpu.memref_slice %arg4[%sub3A_269, %dma_start3A_275] : memref<488000x64xf32, #tpu.memory_space<hbm>> -> memref<1x64xf32, #tpu.memory_space<hbm>>
        tpu.enqueue_dma source(%dma_start3A_276 : memref<1x64xf32, #tpu.memory_space<hbm>>) target(%dma_start3A_274 : memref<1x64xf32, #tpu.memory_space<vmem>>) target_semaphore(%arg8 : memref<!tpu.dma_semaphore, #tpu.memory_space<semaphore_mem>>)
      } else {
      }
      %slice3A_173 = vector.extract_strided_slice %get3A_18 {offsets = [10], sizes = [1], strides = [1]} : vector<16xi32> to vector<1xi32>
      %squeeze3A_174 = vector.extract %slice3A_173[0] : i32 from vector<1xi32>
      %mul3A_175 = arith.constant 16 : i32
      %mul3A_176 = arith.muli %scan3A_14, %mul3A_175 : i32
      %add3A_177 = arith.constant 10 : i32
      %add3A_178 = arith.addi %mul3A_176, %add3A_177 : i32
      %lt3A_179 = arith.constant 512000 : i32
      %lt3A_180 = arith.cmpi slt, %squeeze3A_174, %lt3A_179 : i32
      %convert_element_type3A_181 = arith.extui %lt3A_180 : i1 to i32
      %cond3A_182 = arith.constant 0 : i32
      %cond3A_183 = arith.cmpi ne, %convert_element_type3A_181, %cond3A_182 : i32
      scf.if %cond3A_183 {
        %dma_start3A = arith.constant 0 : i32
        %dma_start3A_269 = tpu.memref_slice %arg7[%add3A_178, %dma_start3A] : memref<512x64xf32, #tpu.memory_space<vmem>> -> memref<1x64xf32, #tpu.memory_space<vmem>>
        %dma_start3A_270 = arith.constant 0 : i32
        %dma_start3A_271 = tpu.memref_slice %arg3[%squeeze3A_174, %dma_start3A_270] : memref<512000x64xf32, #tpu.memory_space<hbm>> -> memref<1x64xf32, #tpu.memory_space<hbm>>
        %dma_start3A_272 = arith.constant 0 : i32
        %dma_start3A_273 = tpu.memref_slice %arg7[%add3A_178, %dma_start3A_272] : memref<512x64xf32, #tpu.memory_space<vmem>> -> memref<1x64xf32, #tpu.memory_space<vmem>>
        %dma_start3A_274 = arith.constant 0 : i32
        %dma_start3A_275 = tpu.memref_slice %arg3[%squeeze3A_174, %dma_start3A_274] : memref<512000x64xf32, #tpu.memory_space<hbm>> -> memref<1x64xf32, #tpu.memory_space<hbm>>
        tpu.enqueue_dma source(%dma_start3A_275 : memref<1x64xf32, #tpu.memory_space<hbm>>) target(%dma_start3A_273 : memref<1x64xf32, #tpu.memory_space<vmem>>) target_semaphore(%arg8 : memref<!tpu.dma_semaphore, #tpu.memory_space<semaphore_mem>>)
      } else {
      }
      %ge3A_184 = arith.constant 512000 : i32
      %ge3A_185 = arith.cmpi sge, %squeeze3A_174, %ge3A_184 : i32
      %convert_element_type3A_186 = arith.extui %ge3A_185 : i1 to i32
      %cond3A_187 = arith.constant 0 : i32
      %cond3A_188 = arith.cmpi ne, %convert_element_type3A_186, %cond3A_187 : i32
      scf.if %cond3A_188 {
        %sub3A = arith.constant 512000 : i32
        %sub3A_269 = arith.subi %squeeze3A_174, %sub3A : i32
        %dma_start3A = arith.constant 0 : i32
        %dma_start3A_270 = tpu.memref_slice %arg7[%add3A_178, %dma_start3A] : memref<512x64xf32, #tpu.memory_space<vmem>> -> memref<1x64xf32, #tpu.memory_space<vmem>>
        %dma_start3A_271 = arith.constant 0 : i32
        %dma_start3A_272 = tpu.memref_slice %arg4[%sub3A_269, %dma_start3A_271] : memref<488000x64xf32, #tpu.memory_space<hbm>> -> memref<1x64xf32, #tpu.memory_space<hbm>>
        %dma_start3A_273 = arith.constant 0 : i32
        %dma_start3A_274 = tpu.memref_slice %arg7[%add3A_178, %dma_start3A_273] : memref<512x64xf32, #tpu.memory_space<vmem>> -> memref<1x64xf32, #tpu.memory_space<vmem>>
        %dma_start3A_275 = arith.constant 0 : i32
        %dma_start3A_276 = tpu.memref_slice %arg4[%sub3A_269, %dma_start3A_275] : memref<488000x64xf32, #tpu.memory_space<hbm>> -> memref<1x64xf32, #tpu.memory_space<hbm>>
        tpu.enqueue_dma source(%dma_start3A_276 : memref<1x64xf32, #tpu.memory_space<hbm>>) target(%dma_start3A_274 : memref<1x64xf32, #tpu.memory_space<vmem>>) target_semaphore(%arg8 : memref<!tpu.dma_semaphore, #tpu.memory_space<semaphore_mem>>)
      } else {
      }
      %slice3A_189 = vector.extract_strided_slice %get3A_18 {offsets = [11], sizes = [1], strides = [1]} : vector<16xi32> to vector<1xi32>
      %squeeze3A_190 = vector.extract %slice3A_189[0] : i32 from vector<1xi32>
      %mul3A_191 = arith.constant 16 : i32
      %mul3A_192 = arith.muli %scan3A_14, %mul3A_191 : i32
      %add3A_193 = arith.constant 11 : i32
      %add3A_194 = arith.addi %mul3A_192, %add3A_193 : i32
      %lt3A_195 = arith.constant 512000 : i32
      %lt3A_196 = arith.cmpi slt, %squeeze3A_190, %lt3A_195 : i32
      %convert_element_type3A_197 = arith.extui %lt3A_196 : i1 to i32
      %cond3A_198 = arith.constant 0 : i32
      %cond3A_199 = arith.cmpi ne, %convert_element_type3A_197, %cond3A_198 : i32
      scf.if %cond3A_199 {
        %dma_start3A = arith.constant 0 : i32
        %dma_start3A_269 = tpu.memref_slice %arg7[%add3A_194, %dma_start3A] : memref<512x64xf32, #tpu.memory_space<vmem>> -> memref<1x64xf32, #tpu.memory_space<vmem>>
        %dma_start3A_270 = arith.constant 0 : i32
        %dma_start3A_271 = tpu.memref_slice %arg3[%squeeze3A_190, %dma_start3A_270] : memref<512000x64xf32, #tpu.memory_space<hbm>> -> memref<1x64xf32, #tpu.memory_space<hbm>>
        %dma_start3A_272 = arith.constant 0 : i32
        %dma_start3A_273 = tpu.memref_slice %arg7[%add3A_194, %dma_start3A_272] : memref<512x64xf32, #tpu.memory_space<vmem>> -> memref<1x64xf32, #tpu.memory_space<vmem>>
        %dma_start3A_274 = arith.constant 0 : i32
        %dma_start3A_275 = tpu.memref_slice %arg3[%squeeze3A_190, %dma_start3A_274] : memref<512000x64xf32, #tpu.memory_space<hbm>> -> memref<1x64xf32, #tpu.memory_space<hbm>>
        tpu.enqueue_dma source(%dma_start3A_275 : memref<1x64xf32, #tpu.memory_space<hbm>>) target(%dma_start3A_273 : memref<1x64xf32, #tpu.memory_space<vmem>>) target_semaphore(%arg8 : memref<!tpu.dma_semaphore, #tpu.memory_space<semaphore_mem>>)
      } else {
      }
      %ge3A_200 = arith.constant 512000 : i32
      %ge3A_201 = arith.cmpi sge, %squeeze3A_190, %ge3A_200 : i32
      %convert_element_type3A_202 = arith.extui %ge3A_201 : i1 to i32
      %cond3A_203 = arith.constant 0 : i32
      %cond3A_204 = arith.cmpi ne, %convert_element_type3A_202, %cond3A_203 : i32
      scf.if %cond3A_204 {
        %sub3A = arith.constant 512000 : i32
        %sub3A_269 = arith.subi %squeeze3A_190, %sub3A : i32
        %dma_start3A = arith.constant 0 : i32
        %dma_start3A_270 = tpu.memref_slice %arg7[%add3A_194, %dma_start3A] : memref<512x64xf32, #tpu.memory_space<vmem>> -> memref<1x64xf32, #tpu.memory_space<vmem>>
        %dma_start3A_271 = arith.constant 0 : i32
        %dma_start3A_272 = tpu.memref_slice %arg4[%sub3A_269, %dma_start3A_271] : memref<488000x64xf32, #tpu.memory_space<hbm>> -> memref<1x64xf32, #tpu.memory_space<hbm>>
        %dma_start3A_273 = arith.constant 0 : i32
        %dma_start3A_274 = tpu.memref_slice %arg7[%add3A_194, %dma_start3A_273] : memref<512x64xf32, #tpu.memory_space<vmem>> -> memref<1x64xf32, #tpu.memory_space<vmem>>
        %dma_start3A_275 = arith.constant 0 : i32
        %dma_start3A_276 = tpu.memref_slice %arg4[%sub3A_269, %dma_start3A_275] : memref<488000x64xf32, #tpu.memory_space<hbm>> -> memref<1x64xf32, #tpu.memory_space<hbm>>
        tpu.enqueue_dma source(%dma_start3A_276 : memref<1x64xf32, #tpu.memory_space<hbm>>) target(%dma_start3A_274 : memref<1x64xf32, #tpu.memory_space<vmem>>) target_semaphore(%arg8 : memref<!tpu.dma_semaphore, #tpu.memory_space<semaphore_mem>>)
      } else {
      }
      %slice3A_205 = vector.extract_strided_slice %get3A_18 {offsets = [12], sizes = [1], strides = [1]} : vector<16xi32> to vector<1xi32>
      %squeeze3A_206 = vector.extract %slice3A_205[0] : i32 from vector<1xi32>
      %mul3A_207 = arith.constant 16 : i32
      %mul3A_208 = arith.muli %scan3A_14, %mul3A_207 : i32
      %add3A_209 = arith.constant 12 : i32
      %add3A_210 = arith.addi %mul3A_208, %add3A_209 : i32
      %lt3A_211 = arith.constant 512000 : i32
      %lt3A_212 = arith.cmpi slt, %squeeze3A_206, %lt3A_211 : i32
      %convert_element_type3A_213 = arith.extui %lt3A_212 : i1 to i32
      %cond3A_214 = arith.constant 0 : i32
      %cond3A_215 = arith.cmpi ne, %convert_element_type3A_213, %cond3A_214 : i32
      scf.if %cond3A_215 {
        %dma_start3A = arith.constant 0 : i32
        %dma_start3A_269 = tpu.memref_slice %arg7[%add3A_210, %dma_start3A] : memref<512x64xf32, #tpu.memory_space<vmem>> -> memref<1x64xf32, #tpu.memory_space<vmem>>
        %dma_start3A_270 = arith.constant 0 : i32
        %dma_start3A_271 = tpu.memref_slice %arg3[%squeeze3A_206, %dma_start3A_270] : memref<512000x64xf32, #tpu.memory_space<hbm>> -> memref<1x64xf32, #tpu.memory_space<hbm>>
        %dma_start3A_272 = arith.constant 0 : i32
        %dma_start3A_273 = tpu.memref_slice %arg7[%add3A_210, %dma_start3A_272] : memref<512x64xf32, #tpu.memory_space<vmem>> -> memref<1x64xf32, #tpu.memory_space<vmem>>
        %dma_start3A_274 = arith.constant 0 : i32
        %dma_start3A_275 = tpu.memref_slice %arg3[%squeeze3A_206, %dma_start3A_274] : memref<512000x64xf32, #tpu.memory_space<hbm>> -> memref<1x64xf32, #tpu.memory_space<hbm>>
        tpu.enqueue_dma source(%dma_start3A_275 : memref<1x64xf32, #tpu.memory_space<hbm>>) target(%dma_start3A_273 : memref<1x64xf32, #tpu.memory_space<vmem>>) target_semaphore(%arg8 : memref<!tpu.dma_semaphore, #tpu.memory_space<semaphore_mem>>)
      } else {
      }
      %ge3A_216 = arith.constant 512000 : i32
      %ge3A_217 = arith.cmpi sge, %squeeze3A_206, %ge3A_216 : i32
      %convert_element_type3A_218 = arith.extui %ge3A_217 : i1 to i32
      %cond3A_219 = arith.constant 0 : i32
      %cond3A_220 = arith.cmpi ne, %convert_element_type3A_218, %cond3A_219 : i32
      scf.if %cond3A_220 {
        %sub3A = arith.constant 512000 : i32
        %sub3A_269 = arith.subi %squeeze3A_206, %sub3A : i32
        %dma_start3A = arith.constant 0 : i32
        %dma_start3A_270 = tpu.memref_slice %arg7[%add3A_210, %dma_start3A] : memref<512x64xf32, #tpu.memory_space<vmem>> -> memref<1x64xf32, #tpu.memory_space<vmem>>
        %dma_start3A_271 = arith.constant 0 : i32
        %dma_start3A_272 = tpu.memref_slice %arg4[%sub3A_269, %dma_start3A_271] : memref<488000x64xf32, #tpu.memory_space<hbm>> -> memref<1x64xf32, #tpu.memory_space<hbm>>
        %dma_start3A_273 = arith.constant 0 : i32
        %dma_start3A_274 = tpu.memref_slice %arg7[%add3A_210, %dma_start3A_273] : memref<512x64xf32, #tpu.memory_space<vmem>> -> memref<1x64xf32, #tpu.memory_space<vmem>>
        %dma_start3A_275 = arith.constant 0 : i32
        %dma_start3A_276 = tpu.memref_slice %arg4[%sub3A_269, %dma_start3A_275] : memref<488000x64xf32, #tpu.memory_space<hbm>> -> memref<1x64xf32, #tpu.memory_space<hbm>>
        tpu.enqueue_dma source(%dma_start3A_276 : memref<1x64xf32, #tpu.memory_space<hbm>>) target(%dma_start3A_274 : memref<1x64xf32, #tpu.memory_space<vmem>>) target_semaphore(%arg8 : memref<!tpu.dma_semaphore, #tpu.memory_space<semaphore_mem>>)
      } else {
      }
      %slice3A_221 = vector.extract_strided_slice %get3A_18 {offsets = [13], sizes = [1], strides = [1]} : vector<16xi32> to vector<1xi32>
      %squeeze3A_222 = vector.extract %slice3A_221[0] : i32 from vector<1xi32>
      %mul3A_223 = arith.constant 16 : i32
      %mul3A_224 = arith.muli %scan3A_14, %mul3A_223 : i32
      %add3A_225 = arith.constant 13 : i32
      %add3A_226 = arith.addi %mul3A_224, %add3A_225 : i32
      %lt3A_227 = arith.constant 512000 : i32
      %lt3A_228 = arith.cmpi slt, %squeeze3A_222, %lt3A_227 : i32
      %convert_element_type3A_229 = arith.extui %lt3A_228 : i1 to i32
      %cond3A_230 = arith.constant 0 : i32
      %cond3A_231 = arith.cmpi ne, %convert_element_type3A_229, %cond3A_230 : i32
      scf.if %cond3A_231 {
        %dma_start3A = arith.constant 0 : i32
        %dma_start3A_269 = tpu.memref_slice %arg7[%add3A_226, %dma_start3A] : memref<512x64xf32, #tpu.memory_space<vmem>> -> memref<1x64xf32, #tpu.memory_space<vmem>>
        %dma_start3A_270 = arith.constant 0 : i32
        %dma_start3A_271 = tpu.memref_slice %arg3[%squeeze3A_222, %dma_start3A_270] : memref<512000x64xf32, #tpu.memory_space<hbm>> -> memref<1x64xf32, #tpu.memory_space<hbm>>
        %dma_start3A_272 = arith.constant 0 : i32
        %dma_start3A_273 = tpu.memref_slice %arg7[%add3A_226, %dma_start3A_272] : memref<512x64xf32, #tpu.memory_space<vmem>> -> memref<1x64xf32, #tpu.memory_space<vmem>>
        %dma_start3A_274 = arith.constant 0 : i32
        %dma_start3A_275 = tpu.memref_slice %arg3[%squeeze3A_222, %dma_start3A_274] : memref<512000x64xf32, #tpu.memory_space<hbm>> -> memref<1x64xf32, #tpu.memory_space<hbm>>
        tpu.enqueue_dma source(%dma_start3A_275 : memref<1x64xf32, #tpu.memory_space<hbm>>) target(%dma_start3A_273 : memref<1x64xf32, #tpu.memory_space<vmem>>) target_semaphore(%arg8 : memref<!tpu.dma_semaphore, #tpu.memory_space<semaphore_mem>>)
      } else {
      }
      %ge3A_232 = arith.constant 512000 : i32
      %ge3A_233 = arith.cmpi sge, %squeeze3A_222, %ge3A_232 : i32
      %convert_element_type3A_234 = arith.extui %ge3A_233 : i1 to i32
      %cond3A_235 = arith.constant 0 : i32
      %cond3A_236 = arith.cmpi ne, %convert_element_type3A_234, %cond3A_235 : i32
      scf.if %cond3A_236 {
        %sub3A = arith.constant 512000 : i32
        %sub3A_269 = arith.subi %squeeze3A_222, %sub3A : i32
        %dma_start3A = arith.constant 0 : i32
        %dma_start3A_270 = tpu.memref_slice %arg7[%add3A_226, %dma_start3A] : memref<512x64xf32, #tpu.memory_space<vmem>> -> memref<1x64xf32, #tpu.memory_space<vmem>>
        %dma_start3A_271 = arith.constant 0 : i32
        %dma_start3A_272 = tpu.memref_slice %arg4[%sub3A_269, %dma_start3A_271] : memref<488000x64xf32, #tpu.memory_space<hbm>> -> memref<1x64xf32, #tpu.memory_space<hbm>>
        %dma_start3A_273 = arith.constant 0 : i32
        %dma_start3A_274 = tpu.memref_slice %arg7[%add3A_226, %dma_start3A_273] : memref<512x64xf32, #tpu.memory_space<vmem>> -> memref<1x64xf32, #tpu.memory_space<vmem>>
        %dma_start3A_275 = arith.constant 0 : i32
        %dma_start3A_276 = tpu.memref_slice %arg4[%sub3A_269, %dma_start3A_275] : memref<488000x64xf32, #tpu.memory_space<hbm>> -> memref<1x64xf32, #tpu.memory_space<hbm>>
        tpu.enqueue_dma source(%dma_start3A_276 : memref<1x64xf32, #tpu.memory_space<hbm>>) target(%dma_start3A_274 : memref<1x64xf32, #tpu.memory_space<vmem>>) target_semaphore(%arg8 : memref<!tpu.dma_semaphore, #tpu.memory_space<semaphore_mem>>)
      } else {
      }
      %slice3A_237 = vector.extract_strided_slice %get3A_18 {offsets = [14], sizes = [1], strides = [1]} : vector<16xi32> to vector<1xi32>
      %squeeze3A_238 = vector.extract %slice3A_237[0] : i32 from vector<1xi32>
      %mul3A_239 = arith.constant 16 : i32
      %mul3A_240 = arith.muli %scan3A_14, %mul3A_239 : i32
      %add3A_241 = arith.constant 14 : i32
      %add3A_242 = arith.addi %mul3A_240, %add3A_241 : i32
      %lt3A_243 = arith.constant 512000 : i32
      %lt3A_244 = arith.cmpi slt, %squeeze3A_238, %lt3A_243 : i32
      %convert_element_type3A_245 = arith.extui %lt3A_244 : i1 to i32
      %cond3A_246 = arith.constant 0 : i32
      %cond3A_247 = arith.cmpi ne, %convert_element_type3A_245, %cond3A_246 : i32
      scf.if %cond3A_247 {
        %dma_start3A = arith.constant 0 : i32
        %dma_start3A_269 = tpu.memref_slice %arg7[%add3A_242, %dma_start3A] : memref<512x64xf32, #tpu.memory_space<vmem>> -> memref<1x64xf32, #tpu.memory_space<vmem>>
        %dma_start3A_270 = arith.constant 0 : i32
        %dma_start3A_271 = tpu.memref_slice %arg3[%squeeze3A_238, %dma_start3A_270] : memref<512000x64xf32, #tpu.memory_space<hbm>> -> memref<1x64xf32, #tpu.memory_space<hbm>>
        %dma_start3A_272 = arith.constant 0 : i32
        %dma_start3A_273 = tpu.memref_slice %arg7[%add3A_242, %dma_start3A_272] : memref<512x64xf32, #tpu.memory_space<vmem>> -> memref<1x64xf32, #tpu.memory_space<vmem>>
        %dma_start3A_274 = arith.constant 0 : i32
        %dma_start3A_275 = tpu.memref_slice %arg3[%squeeze3A_238, %dma_start3A_274] : memref<512000x64xf32, #tpu.memory_space<hbm>> -> memref<1x64xf32, #tpu.memory_space<hbm>>
        tpu.enqueue_dma source(%dma_start3A_275 : memref<1x64xf32, #tpu.memory_space<hbm>>) target(%dma_start3A_273 : memref<1x64xf32, #tpu.memory_space<vmem>>) target_semaphore(%arg8 : memref<!tpu.dma_semaphore, #tpu.memory_space<semaphore_mem>>)
      } else {
      }
      %ge3A_248 = arith.constant 512000 : i32
      %ge3A_249 = arith.cmpi sge, %squeeze3A_238, %ge3A_248 : i32
      %convert_element_type3A_250 = arith.extui %ge3A_249 : i1 to i32
      %cond3A_251 = arith.constant 0 : i32
      %cond3A_252 = arith.cmpi ne, %convert_element_type3A_250, %cond3A_251 : i32
      scf.if %cond3A_252 {
        %sub3A = arith.constant 512000 : i32
        %sub3A_269 = arith.subi %squeeze3A_238, %sub3A : i32
        %dma_start3A = arith.constant 0 : i32
        %dma_start3A_270 = tpu.memref_slice %arg7[%add3A_242, %dma_start3A] : memref<512x64xf32, #tpu.memory_space<vmem>> -> memref<1x64xf32, #tpu.memory_space<vmem>>
        %dma_start3A_271 = arith.constant 0 : i32
        %dma_start3A_272 = tpu.memref_slice %arg4[%sub3A_269, %dma_start3A_271] : memref<488000x64xf32, #tpu.memory_space<hbm>> -> memref<1x64xf32, #tpu.memory_space<hbm>>
        %dma_start3A_273 = arith.constant 0 : i32
        %dma_start3A_274 = tpu.memref_slice %arg7[%add3A_242, %dma_start3A_273] : memref<512x64xf32, #tpu.memory_space<vmem>> -> memref<1x64xf32, #tpu.memory_space<vmem>>
        %dma_start3A_275 = arith.constant 0 : i32
        %dma_start3A_276 = tpu.memref_slice %arg4[%sub3A_269, %dma_start3A_275] : memref<488000x64xf32, #tpu.memory_space<hbm>> -> memref<1x64xf32, #tpu.memory_space<hbm>>
        tpu.enqueue_dma source(%dma_start3A_276 : memref<1x64xf32, #tpu.memory_space<hbm>>) target(%dma_start3A_274 : memref<1x64xf32, #tpu.memory_space<vmem>>) target_semaphore(%arg8 : memref<!tpu.dma_semaphore, #tpu.memory_space<semaphore_mem>>)
      } else {
      }
      %slice3A_253 = vector.extract_strided_slice %get3A_18 {offsets = [15], sizes = [1], strides = [1]} : vector<16xi32> to vector<1xi32>
      %squeeze3A_254 = vector.extract %slice3A_253[0] : i32 from vector<1xi32>
      %mul3A_255 = arith.constant 16 : i32
      %mul3A_256 = arith.muli %scan3A_14, %mul3A_255 : i32
      %add3A_257 = arith.constant 15 : i32
      %add3A_258 = arith.addi %mul3A_256, %add3A_257 : i32
      %lt3A_259 = arith.constant 512000 : i32
      %lt3A_260 = arith.cmpi slt, %squeeze3A_254, %lt3A_259 : i32
      %convert_element_type3A_261 = arith.extui %lt3A_260 : i1 to i32
      %cond3A_262 = arith.constant 0 : i32
      %cond3A_263 = arith.cmpi ne, %convert_element_type3A_261, %cond3A_262 : i32
      scf.if %cond3A_263 {
        %dma_start3A = arith.constant 0 : i32
        %dma_start3A_269 = tpu.memref_slice %arg7[%add3A_258, %dma_start3A] : memref<512x64xf32, #tpu.memory_space<vmem>> -> memref<1x64xf32, #tpu.memory_space<vmem>>
        %dma_start3A_270 = arith.constant 0 : i32
        %dma_start3A_271 = tpu.memref_slice %arg3[%squeeze3A_254, %dma_start3A_270] : memref<512000x64xf32, #tpu.memory_space<hbm>> -> memref<1x64xf32, #tpu.memory_space<hbm>>
        %dma_start3A_272 = arith.constant 0 : i32
        %dma_start3A_273 = tpu.memref_slice %arg7[%add3A_258, %dma_start3A_272] : memref<512x64xf32, #tpu.memory_space<vmem>> -> memref<1x64xf32, #tpu.memory_space<vmem>>
        %dma_start3A_274 = arith.constant 0 : i32
        %dma_start3A_275 = tpu.memref_slice %arg3[%squeeze3A_254, %dma_start3A_274] : memref<512000x64xf32, #tpu.memory_space<hbm>> -> memref<1x64xf32, #tpu.memory_space<hbm>>
        tpu.enqueue_dma source(%dma_start3A_275 : memref<1x64xf32, #tpu.memory_space<hbm>>) target(%dma_start3A_273 : memref<1x64xf32, #tpu.memory_space<vmem>>) target_semaphore(%arg8 : memref<!tpu.dma_semaphore, #tpu.memory_space<semaphore_mem>>)
      } else {
      }
      %ge3A_264 = arith.constant 512000 : i32
      %ge3A_265 = arith.cmpi sge, %squeeze3A_254, %ge3A_264 : i32
      %convert_element_type3A_266 = arith.extui %ge3A_265 : i1 to i32
      %cond3A_267 = arith.constant 0 : i32
      %cond3A_268 = arith.cmpi ne, %convert_element_type3A_266, %cond3A_267 : i32
      scf.if %cond3A_268 {
        %sub3A = arith.constant 512000 : i32
        %sub3A_269 = arith.subi %squeeze3A_254, %sub3A : i32
        %dma_start3A = arith.constant 0 : i32
        %dma_start3A_270 = tpu.memref_slice %arg7[%add3A_258, %dma_start3A] : memref<512x64xf32, #tpu.memory_space<vmem>> -> memref<1x64xf32, #tpu.memory_space<vmem>>
        %dma_start3A_271 = arith.constant 0 : i32
        %dma_start3A_272 = tpu.memref_slice %arg4[%sub3A_269, %dma_start3A_271] : memref<488000x64xf32, #tpu.memory_space<hbm>> -> memref<1x64xf32, #tpu.memory_space<hbm>>
        %dma_start3A_273 = arith.constant 0 : i32
        %dma_start3A_274 = tpu.memref_slice %arg7[%add3A_258, %dma_start3A_273] : memref<512x64xf32, #tpu.memory_space<vmem>> -> memref<1x64xf32, #tpu.memory_space<vmem>>
        %dma_start3A_275 = arith.constant 0 : i32
        %dma_start3A_276 = tpu.memref_slice %arg4[%sub3A_269, %dma_start3A_275] : memref<488000x64xf32, #tpu.memory_space<hbm>> -> memref<1x64xf32, #tpu.memory_space<hbm>>
        tpu.enqueue_dma source(%dma_start3A_276 : memref<1x64xf32, #tpu.memory_space<hbm>>) target(%dma_start3A_274 : memref<1x64xf32, #tpu.memory_space<vmem>>) target_semaphore(%arg8 : memref<!tpu.dma_semaphore, #tpu.memory_space<semaphore_mem>>)
      } else {
      }
    }
    %scan3A_7 = arith.constant 32 : i32
    %scan3A_8 = arith.constant 0 : i32
    %scan3A_9 = arith.constant 0 : i32
    %scan3A_10 = arith.constant 512 : i32
    %scan3A_11 = arith.addi %scan3A_9, %scan3A_10 : i32
    %scan3A_12 = arith.constant 1 : i32
    scf.for %scan3A_14 = %scan3A_9 to %scan3A_11 step %scan3A_12  : i32 {
      %dma_wait3A = arith.constant 0 : i32
      %dma_wait3A_15 = tpu.memref_slice %arg7[%scan3A_14, %dma_wait3A] : memref<512x64xf32, #tpu.memory_space<vmem>> -> memref<1x64xf32, #tpu.memory_space<vmem>>
      %dma_wait3A_16 = arith.constant 0 : i32
      %dma_wait3A_17 = arith.constant 0 : i32
      %dma_wait3A_18 = tpu.memref_slice %arg3[%dma_wait3A_16, %dma_wait3A_17] : memref<512000x64xf32, #tpu.memory_space<hbm>> -> memref<1x64xf32, #tpu.memory_space<hbm>>
      %dma_wait3A_19 = arith.constant 0 : i32
      %dma_wait3A_20 = tpu.memref_slice %arg7[%scan3A_14, %dma_wait3A_19] : memref<512x64xf32, #tpu.memory_space<vmem>> -> memref<1x64xf32, #tpu.memory_space<vmem>>
      %dma_wait3A_21 = arith.constant 0 : i32
      %dma_wait3A_22 = arith.constant 0 : i32
      %dma_wait3A_23 = tpu.memref_slice %arg3[%dma_wait3A_21, %dma_wait3A_22] : memref<512000x64xf32, #tpu.memory_space<hbm>> -> memref<1x64xf32, #tpu.memory_space<hbm>>
      tpu.wait_dma2 semaphore(%arg8 : memref<!tpu.dma_semaphore, #tpu.memory_space<semaphore_mem>>) src(%dma_wait3A_23 : memref<1x64xf32, #tpu.memory_space<hbm>>) dst(%dma_wait3A_20 : memref<1x64xf32, #tpu.memory_space<vmem>>)
      %get3A = arith.index_cast %scan3A_14 : i32 to index
      %get3A_24 = arith.constant 0 : index
      %get3A_25 = tpu.vector_load %arg7[%get3A, %get3A_24] {strides = array<i32>} : memref<512x64xf32, #tpu.memory_space<vmem>>, vector<1x16xf32>,
      %get3A_26 = vector.shape_cast %get3A_25 : vector<1x16xf32> to vector<16xf32>
      %get3A_27 = arith.index_cast %scan3A_14 : i32 to index
      %get3A_28 = arith.constant 16 : index
      %get3A_29 = tpu.vector_load %arg7[%get3A_27, %get3A_28] {strides = array<i32>} : memref<512x64xf32, #tpu.memory_space<vmem>>, vector<1x16xf32>,
      %get3A_30 = vector.shape_cast %get3A_29 : vector<1x16xf32> to vector<16xf32>
      %get3A_31 = arith.index_cast %scan3A_14 : i32 to index
      %get3A_32 = arith.constant 32 : index
      %get3A_33 = tpu.vector_load %arg7[%get3A_31, %get3A_32] {strides = array<i32>} : memref<512x64xf32, #tpu.memory_space<vmem>>, vector<1x16xf32>,
      %get3A_34 = vector.shape_cast %get3A_33 : vector<1x16xf32> to vector<16xf32>
      %get3A_35 = arith.index_cast %scan3A_14 : i32 to index
      %get3A_36 = arith.constant 48 : index
      %get3A_37 = tpu.vector_load %arg7[%get3A_35, %get3A_36] {strides = array<i32>} : memref<512x64xf32, #tpu.memory_space<vmem>>, vector<1x16xf32>,
      %get3A_38 = vector.shape_cast %get3A_37 : vector<1x16xf32> to vector<16xf32>
      %mul3A_39 = arith.mulf %get3A_26, %get3A_26 : vector<16xf32>
      %mul3A_40 = arith.mulf %get3A_30, %get3A_30 : vector<16xf32>
      %add3A_41 = arith.addf %mul3A_39, %mul3A_40 : vector<16xf32>
      %mul3A_42 = arith.mulf %get3A_34, %get3A_34 : vector<16xf32>
      %add3A_43 = arith.addf %add3A_41, %mul3A_42 : vector<16xf32>
      %mul3A_44 = arith.mulf %get3A_38, %get3A_38 : vector<16xf32>
      %add3A_45 = arith.addf %add3A_43, %mul3A_44 : vector<16xf32>
      %iota3A = tpu.iota {dimensions = array<i32: 0>} : vector<16xi32>
      %xor3A = arith.constant 8 : i32
      %xor3A_46 = vector.broadcast %xor3A : i32 to vector<16xi32>
      %xor3A_47 = arith.xori %iota3A, %xor3A_46 : vector<16xi32>
      %lt3A = arith.constant 0 : i32
      %lt3A_48 = vector.broadcast %lt3A : i32 to vector<16xi32>
      %lt3A_49 = arith.cmpi slt, %xor3A_47, %lt3A_48 : vector<16xi32>
      %add3A_50 = arith.constant 16 : i32
      %add3A_51 = vector.broadcast %add3A_50 : i32 to vector<16xi32>
      %add3A_52 = arith.addi %xor3A_47, %add3A_51 : vector<16xi32>
      %select_n3A = arith.select %lt3A_49, %add3A_52, %xor3A_47 : vector<16xi1>, vector<16xi32>
      %broadcast_in_dim3A = vector.shape_cast %select_n3A : vector<16xi32> to vector<16x1xi32>
      %gather3A = vector.shape_cast %broadcast_in_dim3A : vector<16x1xi32> to vector<16xi32>
      %gather3A_53 = tpu.dynamic_gather %add3A_45[%gather3A] in [0] : vector<16xf32>, vector<16xi32> -> vector<16xf32>
      %add3A_54 = arith.addf %add3A_45, %gather3A_53 : vector<16xf32>
      %xor3A_55 = arith.constant 4 : i32
      %xor3A_56 = vector.broadcast %xor3A_55 : i32 to vector<16xi32>
      %xor3A_57 = arith.xori %iota3A, %xor3A_56 : vector<16xi32>
      %lt3A_58 = arith.constant 0 : i32
      %lt3A_59 = vector.broadcast %lt3A_58 : i32 to vector<16xi32>
      %lt3A_60 = arith.cmpi slt, %xor3A_57, %lt3A_59 : vector<16xi32>
      %add3A_61 = arith.constant 16 : i32
      %add3A_62 = vector.broadcast %add3A_61 : i32 to vector<16xi32>
      %add3A_63 = arith.addi %xor3A_57, %add3A_62 : vector<16xi32>
      %select_n3A_64 = arith.select %lt3A_60, %add3A_63, %xor3A_57 : vector<16xi1>, vector<16xi32>
      %broadcast_in_dim3A_65 = vector.shape_cast %select_n3A_64 : vector<16xi32> to vector<16x1xi32>
      %gather3A_66 = vector.shape_cast %broadcast_in_dim3A_65 : vector<16x1xi32> to vector<16xi32>
      %gather3A_67 = tpu.dynamic_gather %add3A_54[%gather3A_66] in [0] : vector<16xf32>, vector<16xi32> -> vector<16xf32>
      %add3A_68 = arith.addf %add3A_54, %gather3A_67 : vector<16xf32>
      %xor3A_69 = arith.constant 2 : i32
      %xor3A_70 = vector.broadcast %xor3A_69 : i32 to vector<16xi32>
      %xor3A_71 = arith.xori %iota3A, %xor3A_70 : vector<16xi32>
      %lt3A_72 = arith.constant 0 : i32
      %lt3A_73 = vector.broadcast %lt3A_72 : i32 to vector<16xi32>
      %lt3A_74 = arith.cmpi slt, %xor3A_71, %lt3A_73 : vector<16xi32>
      %add3A_75 = arith.constant 16 : i32
      %add3A_76 = vector.broadcast %add3A_75 : i32 to vector<16xi32>
      %add3A_77 = arith.addi %xor3A_71, %add3A_76 : vector<16xi32>
      %select_n3A_78 = arith.select %lt3A_74, %add3A_77, %xor3A_71 : vector<16xi1>, vector<16xi32>
      %broadcast_in_dim3A_79 = vector.shape_cast %select_n3A_78 : vector<16xi32> to vector<16x1xi32>
      %gather3A_80 = vector.shape_cast %broadcast_in_dim3A_79 : vector<16x1xi32> to vector<16xi32>
      %gather3A_81 = tpu.dynamic_gather %add3A_68[%gather3A_80] in [0] : vector<16xf32>, vector<16xi32> -> vector<16xf32>
      %add3A_82 = arith.addf %add3A_68, %gather3A_81 : vector<16xf32>
      %xor3A_83 = arith.constant 1 : i32
      %xor3A_84 = vector.broadcast %xor3A_83 : i32 to vector<16xi32>
      %xor3A_85 = arith.xori %iota3A, %xor3A_84 : vector<16xi32>
      %lt3A_86 = arith.constant 0 : i32
      %lt3A_87 = vector.broadcast %lt3A_86 : i32 to vector<16xi32>
      %lt3A_88 = arith.cmpi slt, %xor3A_85, %lt3A_87 : vector<16xi32>
      %add3A_89 = arith.constant 16 : i32
      %add3A_90 = vector.broadcast %add3A_89 : i32 to vector<16xi32>
      %add3A_91 = arith.addi %xor3A_85, %add3A_90 : vector<16xi32>
      %select_n3A_92 = arith.select %lt3A_88, %add3A_91, %xor3A_85 : vector<16xi1>, vector<16xi32>
      %broadcast_in_dim3A_93 = vector.shape_cast %select_n3A_92 : vector<16xi32> to vector<16x1xi32>
      %gather3A_94 = vector.shape_cast %broadcast_in_dim3A_93 : vector<16x1xi32> to vector<16xi32>
      %gather3A_95 = tpu.dynamic_gather %add3A_82[%gather3A_94] in [0] : vector<16xf32>, vector<16xi32> -> vector<16xf32>
      %add3A_96 = arith.addf %add3A_82, %gather3A_95 : vector<16xf32>
      %max3A = arith.constant 1.000000e-30 : f32
      %max3A_97 = vector.broadcast %max3A : f32 to vector<16xf32>
      %max3A_98 = arith.maximumf %add3A_96, %max3A_97 : vector<16xf32>
      %bitcast_convert_type3A = tpu.bitcast %max3A_98 : vector<16xf32> -> vector<16xi32>
      %shift_right_arithmetic3A = arith.constant 1 : i32
      %shift_right_arithmetic3A_99 = vector.broadcast %shift_right_arithmetic3A : i32 to vector<16xi32>
      %shift_right_arithmetic3A_100 = arith.shrsi %bitcast_convert_type3A, %shift_right_arithmetic3A_99 : vector<16xi32>
      %sub3A = arith.constant 1597463007 : i32
      %sub3A_101 = vector.broadcast %sub3A : i32 to vector<16xi32>
      %sub3A_102 = arith.subi %sub3A_101, %shift_right_arithmetic3A_100 : vector<16xi32>
      %bitcast_convert_type3A_103 = tpu.bitcast %sub3A_102 : vector<16xi32> -> vector<16xf32>
      %mul3A_104 = arith.constant 5.000000e-01 : f32
      %mul3A_105 = vector.broadcast %mul3A_104 : f32 to vector<16xf32>
      %mul3A_106 = arith.mulf %mul3A_105, %max3A_98 : vector<16xf32>
      %mul3A_107 = arith.mulf %mul3A_106, %bitcast_convert_type3A_103 : vector<16xf32>
      %mul3A_108 = arith.mulf %mul3A_107, %bitcast_convert_type3A_103 : vector<16xf32>
      %sub3A_109 = arith.constant 1.500000e+00 : f32
      %sub3A_110 = vector.broadcast %sub3A_109 : f32 to vector<16xf32>
      %sub3A_111 = arith.subf %sub3A_110, %mul3A_108 : vector<16xf32>
      %mul3A_112 = arith.mulf %bitcast_convert_type3A_103, %sub3A_111 : vector<16xf32>
      %mul3A_113 = arith.constant 5.000000e-01 : f32
      %mul3A_114 = vector.broadcast %mul3A_113 : f32 to vector<16xf32>
      %mul3A_115 = arith.mulf %mul3A_114, %max3A_98 : vector<16xf32>
      %mul3A_116 = arith.mulf %mul3A_115, %mul3A_112 : vector<16xf32>
      %mul3A_117 = arith.mulf %mul3A_116, %mul3A_112 : vector<16xf32>
      %sub3A_118 = arith.constant 1.500000e+00 : f32
      %sub3A_119 = vector.broadcast %sub3A_118 : f32 to vector<16xf32>
      %sub3A_120 = arith.subf %sub3A_119, %mul3A_117 : vector<16xf32>
      %mul3A_121 = arith.mulf %mul3A_112, %sub3A_120 : vector<16xf32>
      %mul3A_122 = arith.constant 5.000000e-01 : f32
      %mul3A_123 = vector.broadcast %mul3A_122 : f32 to vector<16xf32>
      %mul3A_124 = arith.mulf %mul3A_123, %max3A_98 : vector<16xf32>
      %mul3A_125 = arith.mulf %mul3A_124, %mul3A_121 : vector<16xf32>
      %mul3A_126 = arith.mulf %mul3A_125, %mul3A_121 : vector<16xf32>
      %sub3A_127 = arith.constant 1.500000e+00 : f32
      %sub3A_128 = vector.broadcast %sub3A_127 : f32 to vector<16xf32>
      %sub3A_129 = arith.subf %sub3A_128, %mul3A_126 : vector<16xf32>
      %mul3A_130 = arith.mulf %mul3A_121, %sub3A_129 : vector<16xf32>
      %mul3A_131 = arith.mulf %max3A_98, %mul3A_130 : vector<16xf32>
      %max3A_132 = arith.constant 9.99999996E-13 : f32
      %max3A_133 = vector.broadcast %max3A_132 : f32 to vector<16xf32>
      %max3A_134 = arith.maximumf %mul3A_131, %max3A_133 : vector<16xf32>
      %div3A = arith.constant 1.000000e+00 : f32
      %div3A_135 = vector.broadcast %div3A : f32 to vector<16xf32>
      %div3A_136 = arith.divf %div3A_135, %max3A_134 : vector<16xf32>
      %mul3A_137 = arith.mulf %get3A_26, %div3A_136 : vector<16xf32>
      %swap3A = arith.index_cast %scan3A_14 : i32 to index
      %swap3A_138 = arith.constant 0 : index
      %swap3A_139 = tpu.vector_load %arg7[%swap3A, %swap3A_138] {strides = array<i32>} : memref<512x64xf32, #tpu.memory_space<vmem>>, vector<1x16xf32>,
      %swap3A_140 = vector.shape_cast %swap3A_139 : vector<1x16xf32> to vector<16xf32>
      %swap3A_141 = vector.shape_cast %mul3A_137 : vector<16xf32> to vector<1x16xf32>
      tpu.vector_store %arg7[%swap3A, %swap3A_138], %swap3A_141 {strides = array<i32>} : memref<512x64xf32, #tpu.memory_space<vmem>>, vector<1x16xf32>,
      %mul3A_142 = arith.mulf %get3A_30, %div3A_136 : vector<16xf32>
      %swap3A_143 = arith.index_cast %scan3A_14 : i32 to index
      %swap3A_144 = arith.constant 16 : index
      %swap3A_145 = tpu.vector_load %arg7[%swap3A_143, %swap3A_144] {strides = array<i32>} : memref<512x64xf32, #tpu.memory_space<vmem>>, vector<1x16xf32>,
      %swap3A_146 = vector.shape_cast %swap3A_145 : vector<1x16xf32> to vector<16xf32>
      %swap3A_147 = vector.shape_cast %mul3A_142 : vector<16xf32> to vector<1x16xf32>
      tpu.vector_store %arg7[%swap3A_143, %swap3A_144], %swap3A_147 {strides = array<i32>} : memref<512x64xf32, #tpu.memory_space<vmem>>, vector<1x16xf32>,
      %mul3A_148 = arith.mulf %get3A_34, %div3A_136 : vector<16xf32>
      %swap3A_149 = arith.index_cast %scan3A_14 : i32 to index
      %swap3A_150 = arith.constant 32 : index
      %swap3A_151 = tpu.vector_load %arg7[%swap3A_149, %swap3A_150] {strides = array<i32>} : memref<512x64xf32, #tpu.memory_space<vmem>>, vector<1x16xf32>,
      %swap3A_152 = vector.shape_cast %swap3A_151 : vector<1x16xf32> to vector<16xf32>
      %swap3A_153 = vector.shape_cast %mul3A_148 : vector<16xf32> to vector<1x16xf32>
      tpu.vector_store %arg7[%swap3A_149, %swap3A_150], %swap3A_153 {strides = array<i32>} : memref<512x64xf32, #tpu.memory_space<vmem>>, vector<1x16xf32>,
      %mul3A_154 = arith.mulf %get3A_38, %div3A_136 : vector<16xf32>
      %swap3A_155 = arith.index_cast %scan3A_14 : i32 to index
      %swap3A_156 = arith.constant 48 : index
      %swap3A_157 = tpu.vector_load %arg7[%swap3A_155, %swap3A_156] {strides = array<i32>} : memref<512x64xf32, #tpu.memory_space<vmem>>, vector<1x16xf32>,
      %swap3A_158 = vector.shape_cast %swap3A_157 : vector<1x16xf32> to vector<16xf32>
      %swap3A_159 = vector.shape_cast %mul3A_154 : vector<16xf32> to vector<1x16xf32>
      tpu.vector_store %arg7[%swap3A_155, %swap3A_156], %swap3A_159 {strides = array<i32>} : memref<512x64xf32, #tpu.memory_space<vmem>>, vector<1x16xf32>,
    }
    %scan3A_13 = arith.constant 512 : i32
    "tpu.region"() ({
      %run_scoped3A = tpu.sem_alloc : memref<!tpu.dma_semaphore, #tpu.memory_space<semaphore_mem>>
      %dma_start3A = arith.constant 0 : i32
      %dma_start3A_14 = tpu.memref_slice %arg5[%mul3A_2, %dma_start3A] : memref<16384x64xf32, #tpu.memory_space<hbm>> -> memref<512x64xf32, #tpu.memory_space<hbm>>
      %dma_start3A_15 = arith.constant 0 : i32
      %dma_start3A_16 = tpu.memref_slice %arg5[%mul3A_2, %dma_start3A_15] : memref<16384x64xf32, #tpu.memory_space<hbm>> -> memref<512x64xf32, #tpu.memory_space<hbm>>
      tpu.enqueue_dma source(%arg7 : memref<512x64xf32, #tpu.memory_space<vmem>>) target(%dma_start3A_16 : memref<512x64xf32, #tpu.memory_space<hbm>>) target_semaphore(%run_scoped3A : memref<!tpu.dma_semaphore, #tpu.memory_space<semaphore_mem>>)
      %dma_wait3A = arith.constant 0 : i32
      %dma_wait3A_17 = tpu.memref_slice %arg5[%mul3A_2, %dma_wait3A] : memref<16384x64xf32, #tpu.memory_space<hbm>> -> memref<512x64xf32, #tpu.memory_space<hbm>>
      %dma_wait3A_18 = arith.constant 0 : i32
      %dma_wait3A_19 = tpu.memref_slice %arg5[%mul3A_2, %dma_wait3A_18] : memref<16384x64xf32, #tpu.memory_space<hbm>> -> memref<512x64xf32, #tpu.memory_space<hbm>>
      tpu.wait_dma2 semaphore(%run_scoped3A : memref<!tpu.dma_semaphore, #tpu.memory_space<semaphore_mem>>) src(%arg7 : memref<512x64xf32, #tpu.memory_space<vmem>>) dst(%dma_wait3A_19 : memref<512x64xf32, #tpu.memory_space<hbm>>)
      tpu.yield
    }) : () -> ()
    return
  }
}

</mosaic_0001>

<sc_bundles>
// kernel: kernel.3.cloned.1.call-start
scs
__scs_entry_jumppad:
0x0: {  	(pc) =	sbr.rel $0x88, $3  }
0x1: {  	(tag) =	ssettag $0x0;
	lr =	simm.s32 $0x1  }
0x2: {  	[smem:$0x3F9F] =	sst lr;
	_ =	strace $0xD0000000  }
0x3: {  	_ = 	snop  }
0x4: {  	_ = 	snop  }
0x5: {  	_ = 	snop  }
0x6: {  	_ = 	snop  }
0x7: {  	_ = 	snop  }
__scs_overlays_trampoline_lowered:
0x8: {  	[smem:$0x3FAE] =	sst s0  }
0x9: {  	[smem:$0x3FAF] =	sst s1  }
0xa: {  	[smem:$0x3FB0] =	sst s2  }
0xb: {  	[smem:$0x3FB1] =	sst s3  }
0xc: {  	[smem:$0x3FB2] =	sst s4  }
0xd: {  	[smem:$0x3FB3] =	sst s5  }
0xe: {  	[smem:$0x3FB4] =	sst s6  }
0xf: {  	[smem:$0x3FB5] =	sst s7  }
0x10: {  	[smem:$0x3FB6] =	sst s8  }
0x11: {  	[smem:$0x3FB7] =	sst s9;
	s0 =	simm.s32 @!p0 $0x0  }
0x12: {  	s1 =	sld [smem:$0x3F9D];
	s0 =	simm.s32 @p0 $0x1  }
0x13: {  	[smem:$0x3FB8] =	sst s0;
	s0 =	simm.s32 @!p1 $0x0  }
0x14: {  	s2 =	sld [smem:$0x3F9C];
	s0 =	simm.s32 @p1 $0x1  }
0x15: {  	[smem:$0x3FB9] =	sst s0;
	s0 =	simm.s32 @!p2 $0x0  }
0x16: {  	s3 =	sld [smem:$0x3FDB];
	s0 =	simm.s32 @p2 $0x1  }
0x17: {  	s4 =	simm.s32 $0x1BF5;
	[smem:$0x3FBB] =	sst s0  }
0x18: {  	s0 =	sld [smem:$0x3F9E];
	_ =	swait.ge [sflag:s4], $0x0  }
0x19: {  	s7 =	sld [smem:$0x3F9F]  }
0x1a: {  	s8 =	sadd.s32 $0xFFFFE003, lr  }
0x1b: {  	s9 =	sadd.s32 $0xFFFFFEF7, lr;
	s5 =	simm.s32 $0xFFFFFFFF;
	p2 =	slt.u32 s8, $0xFFFFF086  }
0x1c: {  	p1 =	slt.u32 s9, $0xF7A;
	s5 =	simm.s32 @!p2 $0x0  }
0x1d: {  	s5 =	simm.s32 @p1 $0x1;
	p0 =	seq.s32 s7, s2  }
0x1e: {  	s7 =	smul.u32 @!p0 $0xF7A, s2;
	p2 =	seq.s32 @!p0 s5, $0x0  }
0x1f: {  	s9 =	smul.u32 $0xF7A, s1;
	s8 =	simm.s32 @!p0 $0x1BF5;
	p2 =	por !p2, p0  }
0x20: {  	[sflag:s8] =	ssyncset.s32 @!p0 $0xFFFFF086;
	s6 =	sadd.s32 @!p0 s3, s7;
	s7 =	simm.s32 @!p0 $0x108  }
0x21: {  	s3 =	sadd.s32 s3, s9;
	s6 =	sadd.s32 @!p0 $0x88, s6;
	s7 =	simm.s32 @p2 $0x1082  }
0x22: {  	[simem:s7], [sflag:s8] =	dma.local @!p0 [hbm:s6], $0xF7A  }
0x23: {  	s9 =	sor.u32 $0xD0000000, s2;
	s6 =	simm.s32 $0x108;
	_ =	swait.ge @!p0 [sflag:s8], $0x0  }
0x24: {  	s3 =	sadd.s32 $0x88, s3;
	s6 =	simm.s32 @!p1 $0x1082;
	[sflag:s4] =	ssyncset.s32 $0xFFFFF086  }
0x25: {  	[simem:s6], [sflag:s4] =	dma.local [hbm:s3], $0xF7A  }
0x26: {  	[smem:$0x3F9F] =	sst s1;
	(tag) =	ssettag s2;
	_ =	strace s9  }
0x27: {  	s1 =	sld [smem:$0x3FAF]  }
0x28: {  	s2 =	sld [smem:$0x3FB0]  }
0x29: {  	s4 =	sld [smem:$0x3FB2]  }
0x2a: {  	p0 =	seq.s32 s5, $0x0;
	s5 =	sld [smem:$0x3FB3]  }
0x2b: {  	s6 =	sld [smem:$0x3FB4]  }
0x2c: {  	s7 =	sld [smem:$0x3FB5]  }
0x2d: {  	s3 =	simm.s32 $0x108;
	s8 =	sld [smem:$0x3FB6]  }
0x2e: {  	s3 =	simm.s32 @!p0 $0x1082;
	s9 =	sld [smem:$0x3FB7]  }
0x2f: {  	lr =	sadd.s32 s0, s3;
	s0 =	sld [smem:$0x3FAE]  }
0x30: {  	s3 =	sld [smem:$0x3FB1]  }
0x31: {  	[smem:$0x3FBA] =	sst s10  }
0x32: {  	s10 =	sld [smem:$0x3FB8];
	_ =	sdelay $0x3  }
0x33: {  	p0 =	seq.s32 s10, $0x1;
	s10 =	sld [smem:$0x3FBA];
	_ =	sdelay $0x3  }
0x34: {  	[smem:$0x3FBA] =	sst s10  }
0x35: {  	s10 =	sld [smem:$0x3FB9];
	_ =	sdelay $0x3  }
0x36: {  	p1 =	seq.s32 s10, $0x1;
	s10 =	sld [smem:$0x3FBA];
	_ =	sdelay $0x3  }
0x37: {  	[smem:$0x3FBA] =	sst s10  }
0x38: {  	s10 =	sld [smem:$0x3FBB]  }
0x39: {  	_ = 	snop;
	(pc) =	sbr.ind lr, $3  }
0x3a: {  	_ = 	snop  }
0x3b: {  	_ = 	snop  }
0x3c: {  	p2 =	seq.s32 s10, $0x1;
	s10 =	sld [smem:$0x3FBA]  }
0x3d: {  	_ =	shalt  }
0x3e: {  	_ =	shalt  }
0x3f: {  	_ =	shalt  }
0x40: {  	_ =	shalt  }
0x41: {  	_ =	shalt  }
0x42: {  	_ =	shalt  }
0x43: {  	_ =	shalt  }
0x44: {  	_ =	shalt  }
0x45: {  	_ =	shalt  }
0x46: {  	_ =	shalt  }
0x47: {  	_ =	shalt  }
0x48: {  	_ =	shalt  }
0x49: {  	_ =	shalt  }
0x4a: {  	_ =	shalt  }
0x4b: {  	_ =	shalt  }
0x4c: {  	_ =	shalt  }
0x4d: {  	_ =	shalt  }
0x4e: {  	_ =	shalt  }
0x4f: {  	_ =	shalt  }
0x50: {  	_ =	shalt  }
0x51: {  	_ =	shalt  }
0x52: {  	_ =	shalt  }
0x53: {  	_ =	shalt  }
0x54: {  	_ =	shalt  }
0x55: {  	_ =	shalt  }
0x56: {  	_ =	shalt  }
0x57: {  	_ =	shalt  }
0x58: {  	_ =	shalt  }
0x59: {  	_ =	shalt  }
0x5a: {  	_ =	shalt  }
0x5b: {  	_ =	shalt  }
0x5c: {  	_ =	shalt  }
0x5d: {  	_ =	shalt  }
0x5e: {  	_ =	shalt  }
0x5f: {  	_ =	shalt  }
0x60: {  	_ =	shalt  }
0x61: {  	_ =	shalt  }
0x62: {  	_ =	shalt  }
0x63: {  	_ =	shalt  }
0x64: {  	_ =	shalt  }
0x65: {  	_ =	shalt  }
0x66: {  	_ =	shalt  }
0x67: {  	_ =	shalt  }
0x68: {  	_ =	shalt  }
0x69: {  	_ =	shalt  }
0x6a: {  	_ =	shalt  }
0x6b: {  	_ =	shalt  }
0x6c: {  	_ =	shalt  }
0x6d: {  	_ =	shalt  }
0x6e: {  	_ =	shalt  }
0x6f: {  	_ =	shalt  }
0x70: {  	_ =	shalt  }
0x71: {  	_ =	shalt  }
0x72: {  	_ =	shalt  }
0x73: {  	_ =	shalt  }
0x74: {  	_ =	shalt  }
0x75: {  	_ =	shalt  }
0x76: {  	_ =	shalt  }
0x77: {  	_ =	shalt  }
0x78: {  	_ =	shalt  }
0x79: {  	_ =	shalt  }
0x7a: {  	_ =	shalt  }
0x7b: {  	_ =	shalt  }
0x7c: {  	_ =	shalt  }
0x7d: {  	_ =	shalt  }
0x7e: {  	_ =	shalt  }
0x7f: {  	_ =	shalt  }
0x80: {  	_ =	shalt  }
0x81: {  	_ =	shalt  }
0x82: {  	_ =	shalt  }
0x83: {  	_ =	shalt  }
0x84: {  	_ =	shalt  }
0x85: {  	_ =	shalt  }
0x86: {  	_ =	shalt  }
0x87: {  	_ =	shalt  }
.Lfunc_end0:
.L_simem_size_0:
called_computation.2_lowered:
.L_overlay_start_0:
0x88: {  	s2 =	sld [smem:$0x3FD9]  }
0x89: {  	s3 =	sld [smem:$0x3FFE];
	_ =	sdelay $0x1  }
0x8a: {  	s1 =	srdreg.scid  }
0x8b: {  	s0 =	sand.u32 $0x1, s1  }
0x8c: {  	s17 =	sshll.u32 s0, $0xA;
	s2 =	sadd.s32 s3, s2  }
0x8d: {  	s2 =	sadd.s32 s2, s17  }
0x8e: {  	[smem:$0x3FC6] =	sst s2  }
0x8f: {  	_ = 	snop  }
0x90: {  	s2 =	sld [smem:$0x3FC9]  }
0x91: {  	s18 =	sld [smem:$0x3FD0];
	(tm) =	ssettm $0x1  }
0x92: {  	s4 =	sld [smem:$0x3FFB];
	_ =	sdelay $0x3  }
0x93: {  	_ =	strace s4  }
0x94: {  	s4 =	sld [smem:$0x3FFC];
	_ =	sdelay $0x3  }
0x95: {  	_ =	strace s4  }
0x96: {  	s4 =	sld [smem:$0x3FFD];
	_ =	sdelay $0x3  }
0x97: {  	_ =	strace s4  }
0x98: {  	_ =	strace $0x8FFFFFFF  }
0x99: {  	s19 =	sld [smem:$0x3FDB];
	_ =	sdelay $0x1  }
0x9a: {  	s5 =	simm.s32 $_scs_section_size  }
0x9b: {  	s6 =	simm.s32 $_size__tile_overlayer_lowered;
	s7 =	simm.s32 $_tile_overlayer_lowered  }
0x9c: {  	s22 =	simm.s32 $0x1BFF;
	s21 =	sshll.u32 s7, $0x1;
	s4 =	sadd.s32 s5, s19  }
0x9d: {  	s8 =	simm.s32 $0x0;
	s20 =	sshll.u32 s6, $0x1;
	s6 =	sadd.s32 s21, s4  }
0x9e: {  	[timem:s8], [sflag:s22] =	dma.local [hbm:s6], s20  }
0x9f: {  	_ =	swait.ge [sflag:s22], s20  }
0xa0: {  	s5 =	ssub.s32 $0x0, s20;
	[sflag:s22] =	ssyncset.done $0x0  }
0xa1: {  	[sflag:s22] =	ssyncadd.s32 s5;
	_ =	sdelay $0x1  }
0xa2: {  	s23 =	simm.s32 $0x1B8B  }
0xa3: {  	_ =	swait.ge [sflag:s23], $0x1  }
0xa4: {  	[sflag:s23] =	ssyncset.done $0x0  }
0xa5: {  	s25 =	simm.s32 $0x1B8E;
	s24 =	sld [smem:$0x3FFE];
	[sflag:s23] =	ssyncadd.s32 $0xFFFFFFFF  }
0xa6: {  	s26 =	simm.s32 $execute0_lowered;
	[smem:$0x3FD2] =	sst s25  }
0xa7: {  	s6 =	sshll.u32 s26, $0x1;
	_ =	strace $0x8000004C;
	[dreg:$0x1] =	wrdreg $0xFFFFFFFF  }
0xa8: {  	s28 =	simm.s32 $_size_execute0_lowered;
	s4 =	sadd.s32 s4, s6;
	[dreg:$0x0] =	wrdreg $0x0  }
0xa9: {  	s6 =	sshll.u32 s28, $0x1;
	[dreg:$0x2] =	wrdreg s4  }
0xaa: {  	[dreg:$0x3] =	wrdreg s6  }
0xab: {  	[dreg:$0x4] =	wrdreg $0xC0  }
0xac: {  	_ =	task [dreg:s8], $0x5FFFF  }
0xad: {  	[dreg:$0x1] =	wrdreg $0xFFFFFFFF  }
0xae: {  	[dreg:$0x0] =	wrdreg $0x60  }
0xaf: {  	[dreg:$0x2] =	wrdreg s2  }
0xb0: {  	[dreg:$0x3] =	wrdreg s24  }
0xb1: {  	[dreg:$0x4] =	wrdreg s18  }
0xb2: {  	[dreg:$0x5] =	wrdreg $0x9  }
0xb3: {  	_ =	task.clear_ibuf [dreg:s8], $0x6FFFF;
	_ =	strace $0x9000004C  }
0xb4: {  	s29 =	simm.s32 $0x9;
	_ =	strace $0x8000004E  }
0xb5: {  	_ =	swait.ge [sflag:s29], $0x1  }
0xb6: {  	[sflag:s29] =	ssyncadd.s32 $0xFFFFFFFF  }
0xb7: {  	_ =	strace $0x9000004E  }
0xb8: {  	_ =	sfence  }
0xb9: {  	s30 =	sld [smem:$0x0];
	_ =	sdelay $0x2  }
0xba: {  	s31 =	sshll.u32 s1, $0xD;
	s1 =	sshrl.u32 s1, $0x2  }
0xbb: {  	s3 =	sand.u32 $0x4000, s31;
	s1 =	sadd.s32 s1, s30  }
0xbc: {  	s0 =	sor.u32 s3, s0;
	s1 =	sshll.u32 s1, $0x11  }
0xbd: {  	s0 =	sor.u32 s1, s0  }
0xbe: {  	s0 =	sadd.s32 $0x8F2B, s0  }
0xbf: {  	[sflag:s0] =	ssyncadd.remote.s32 $0x1  }
0xc0: {  	_ =	sfence.sel $0xFFFF  }
0xc1: {  	[dreg:$0x0] =	wrdreg $0xFFFFFFFF;
	(pc) =	sbr.abs _section_cstart, $3  }
0xc2: {  	[dreg:$0x1] =	wrdreg $0xFFFFFFFF  }
0xc3: {  	_ =	task.clear_ibuf [dreg:s8], $0x2FFFF;
	_ =	strace $0x9FFFFFFF  }
0xc4: {  	(tm) =	ssettm $0x7FFFFFFF  }
0xc5: {  	_ =	shalt  }
tec
execute0_lowered:
.L_overlay_start_1:
0x0: {  	(tag) =	ssettag $0x1  }
0x1: {  	v0 =	vimm.s32 $0xFEDCBA98;
	s0 =	rddreg [dreg:$0x0]  }
0x2: {  	v1 =	vimm.s32 $0x76543210;
	s2 =	rddreg [dreg:$0x1];
	v2 =	vimm.s32 $0xBA98FEDC;
	v3 =	vimm.s32 $0x32107654  }
0x3: {  	s5 =	rddreg [dreg:$0x2];
	s3 =	srdreg.scid;
	v4 =	vimm.s32 $0xDCFE98BA;
	v5 =	vimm.s32 $0x54761032;
	v6 =	vimm.s32 $0xEFCDAB89  }
0x4: {  	s11 =	simm.s32 $0x0;
	s1 =	stileid.u32;
	v7 =	vimm.s32 $0x67452301;
	v0 =	vunpack.c.l.s4.s8 v0;
	v1 =	vunpack.c.l.s4.s8 v1;
	s4 =	sand.u32 $0x1, s3  }
0x5: {  	[smem:$0x7FF] =	sst s11;
	s6 =	sshll.u32 s1, $0xA;
	v2 =	vunpack.c.l.s4.s8 v2;
	v3 =	vunpack.c.l.s4.s8 v3;
	v4 =	vunpack.c.l.s4.s8 v4;
	s7 =	sshll.u32 s4, $0x9  }
0x6: {  	s3 =	sadd.s32 $0x3B9E00, s2;
	v5 =	vunpack.c.l.s4.s8 v5;
	v6 =	vunpack.c.l.s4.s8 v6;
	v7 =	vunpack.c.l.s4.s8 v7;
	s8 =	ssub.s32 $0x2, s4;
	s6 =	sor.u32 s7, s6  }
0x7: {  	_ =	strace $0x8000004D;
	v0 =	vunpack.c.0.s8.s32 v0;
	v1 =	vunpack.c.0.s8.s32 v1;
	s29 =	sshrl.u32 s8, $0x1;
	v2 =	vunpack.c.0.s8.s32 v2;
	s7 =	sshrl.u32 s6, $0x3  }
0x8: {  	s4 =	sadd.s32 $0xC00, s2;
	v3 =	vunpack.c.0.s8.s32 v3;
	v4 =	vunpack.c.0.s8.s32 v4;
	v5 =	vunpack.c.0.s8.s32 v5;
	s2 =	ssub.s32 s8, s29;
	s0 =	sadd.s32 s0, s7  }
0x9: {  	v6 =	vunpack.c.0.s8.s32 v6;
	v7 =	vunpack.c.0.s8.s32 v7;
	s30 =	sshll.u32 s6, $0x3;
	v0 =	vand.u32 $0xF, v0;
	s31 =	smax.u32 s2, $0x1;
	[dreg:$0x5] =	wrdreg s0  }
0xa: {  	v0 =	vcombine.low v0, v1;
	v1 =	vcombine.low v3, v2;
	s0 =	sadd.s32 s5, s30;
	[dreg:$0x7] =	wrdreg s31  }
0xb: {  	s1 =	simm.s32 $0x2;
	s2 =	simm.s32 $0x0;
	v2 =	vcombine.low v5, v4;
	v3 =	vcombine.low v7, v6;
	[dreg:$0x6] =	wrdreg s0  }
.LBB2_1:
0xc: {  	[dreg:$0x8] =	wrdreg s2  }
0xd: {  	s0 =	rddreg [dreg:$0x5]  }
0xe: {  	[tilespmem:s11], [sflag:$0x2] =	stream.linear.gather [hbm4b:s0+s11], $0x200, $0x38;
	[tilespmem:$0x8200] =	vst v63  }
0xf: {  	_ =	swait.ge [sflag:s1], $0x200  }
0x10: {  	[sflag:s1] =	ssyncset.done $0x0  }
0x11: {  	[sflag:s1] =	ssyncadd.s32 $0xFFFFFE00  }
0x12: {  	v4 =	vld [tilespmem:s11+$0x0];
	_ =	sdelay $0x4  }
0x13: {  	(v2sf) =	vpush v4, $0x7  }
0x14: {  	(v2sf) =	vpush v4, $0x2;
	_ =	sdelay $0x1  }
0x15: {  	(v2sf) =	vpush v4, $0x0  }
0x16: {  	(v2sf) =	vpush v4, $0x1;
	_ =	sdelay $0x1  }
0x17: {  	(v2sf) =	vpush v4, $0x3;
	_ =	sdelay $0x2  }
0x18: {  	(v2sf) =	vpush v4, $0x4;
	_ =	sdelay $0x5  }
0x19: {  	s13 =	simm.s32 $0x1000;
	s16 =	spop (v2sf)  }
0x1a: {  	s12 =	simm.s32 $0x0;
	s15 =	simm.s32 $0x300;
	s0 =	spop (v2sf)  }
0x1b: {  	s17 =	simm.s32 $0x240;
	s20 =	simm.s32 $0x200;
	(v2sf) =	vpush v4, $0x5;
	p2 =	sgt.s32 s0, $0x7CFFF  }
0x1c: {  	s14 =	simm.s32 $0x4C0;
	s2 =	spop (v2sf);
	s5 =	sshll.u32 @p2 s0, $0x6  }
0x1d: {  	s0 =	sshll.u32 @!p2 s0, $0x3;
	s6 =	spop (v2sf);
	p1 =	sgt.s32 s2, $0x7CFFF  }
0x1e: {  	p5 =	sgt.s32 s6, $0x7CFFF;
	s5 =	sadd.s32 @p2 $0xFE0C0000, s5;
	s7 =	sshll.u32 @!p1 s2, $0x3  }
0x1f: {  	s0 =	sand.u32 @!p2 $0x1FFFFFF8, s0;
	s10 =	spop (v2sf);
	s2 =	sshll.u32 @p1 s2, $0x6  }
0x20: {  	s1 =	simm.s32 @!p1 $0x0;
	s18 =	sshll.u32 @!p5 s6, $0x3;
	s5 =	sshrl.u32 @p2 s5, $0x3  }
0x21: {  	(v2sf) =	vpush v4, $0x6;
	s19 =	sadd.s32 @!p2 s3, s0;
	s0 =	sshll.u32 @p5 s6, $0x6;
	p3 =	sgt.s32 s10, $0x7CFFF  }
0x22: {  	(v2sf) =	vpush v4, $0x8;
	s6 =	spop (v2sf);
	s7 =	sand.u32 @!p1 $0x1FFFFFF8, s7;
	s2 =	sadd.s32 @p1 $0xFE0C0000, s2  }
0x23: {  	s1 =	simm.s32 @p1 $0x1;
	s22 =	sand.u32 @!p5 $0x1FFFFFF8, s18;
	s0 =	sadd.s32 @p5 $0xFE0C0000, s0  }
0x24: {  	p4 =	sgt.s32 s6, $0x7CFFF;
	s23 =	sadd.s32 @!p1 s3, s7;
	[smem:$0x7FD] =	sst s1  }
0x25: {  	s5 =	sadd.s32 @p2 s4, s5;
	s18 =	sshll.u32 @p3 s10, $0x6;
	s10 =	sshll.u32 @!p3 s10, $0x3  }
0x26: {  	s28 =	sshrl.u32 @p1 s2, $0x3;
	p1 =	por p5, p5;
	s7 =	sshll.u32 @p4 s6, $0x6  }
0x27: {  	(v2sf) =	vpush v4, $0xA;
	s6 =	sshll.u32 @!p4 s6, $0x3;
	s0 =	sshrl.u32 @p5 s0, $0x3;
	s18 =	sadd.s32 @p3 $0xFE0C0000, s18  }
0x28: {  	(v2sf) =	vpush v4, $0x9;
	s10 =	sand.u32 @!p3 $0x1FFFFFF8, s10;
	s19 =	smov.u32 @p2 s5;
	s7 =	sadd.s32 @p4 $0xFE0C0000, s7  }
0x29: {  	s6 =	sand.u32 @!p4 $0x1FFFFFF8, s6;
	s31 =	sadd.s32 @p5 s4, s0;
	s0 =	sshrl.u32 @p3 s18, $0x3  }
0x2a: {  	(v2sf) =	vpush v4, $0xE;
	s25 =	sadd.s32 @!p3 s3, s10;
	s21 =	sadd.s32 @!p4 s3, s6;
	s6 =	spop (v2sf)  }
0x2b: {  	p5 =	sgt.s32 s16, $0x7CFFF;
	s7 =	sshrl.u32 @p4 s7, $0x3;
	p0 =	sgt.s32 s6, $0x7CFFF  }
0x2c: {  	s0 =	sadd.s32 @p3 s4, s0;
	s7 =	sadd.s32 @p4 s4, s7;
	s24 =	sshll.u32 @p0 s6, $0x6  }
0x2d: {  	s25 =	smov.u32 @p3 s0;
	s6 =	sshll.u32 @!p0 s6, $0x3;
	s24 =	sadd.s32 @p0 $0xFE0C0000, s24  }
0x2e: {  	s21 =	smov.u32 @p4 s7;
	s6 =	sand.u32 @!p0 $0x1FFFFFF8, s6;
	s24 =	sshrl.u32 @p0 s24, $0x3  }
0x2f: {  	s29 =	sadd.s32 @!p0 s3, s6;
	s5 =	sadd.s32 @p0 s4, s24;
	s24 =	sld [smem:$0x7FD]  }
0x30: {  	s26 =	spop (v2sf);
	s29 =	smov.u32 @p0 s5;
	s5 =	sshll.u32 @!p5 s16, $0x3  }
0x31: {  	s16 =	sshll.u32 @p5 s16, $0x6;
	p2 =	sgt.s32 s26, $0x7CFFF;
	s0 =	spop (v2sf)  }
0x32: {  	s16 =	sadd.s32 @p5 $0xFE0C0000, s16;
	s2 =	sshll.u32 @p2 s26, $0x6;
	s10 =	sshll.u32 @!p2 s26, $0x3  }
0x33: {  	p6 =	sgt.s32 s0, $0x7CFFF;
	p0 =	seq.s32 s24, $0x1;
	s2 =	sadd.s32 @p2 $0xFE0C0000, s2  }
0x34: {  	s10 =	sand.u32 @!p2 $0x1FFFFFF8, s10;
	s6 =	sshll.u32 @p6 s0, $0x6;
	s18 =	sadd.s32 @p0 s4, s28  }
0x35: {  	s2 =	sshrl.u32 @p2 s2, $0x3;
	s26 =	sadd.s32 @!p2 s3, s10;
	s6 =	sadd.s32 @p6 $0xFE0C0000, s6  }
0x36: {  	s10 =	sshll.u32 @!p6 s0, $0x3;
	s0 =	spop (v2sf);
	s23 =	smov.u32 @p0 s18  }
0x37: {  	s2 =	sadd.s32 @p2 s4, s2;
	s10 =	sand.u32 @!p6 $0x1FFFFFF8, s10;
	s24 =	spop (v2sf)  }
0x38: {  	s18 =	sshrl.u32 @p6 s6, $0x3;
	s6 =	sshrl.u32 @p5 s16, $0x3;
	s16 =	simm.s32 $0x0  }
0x39: {  	p3 =	sgt.s32 s24, $0x7CFFF;
	s30 =	sadd.s32 @!p6 s3, s10;
	s28 =	spop (v2sf)  }
0x3a: {  	(v2sf) =	vpush v4, $0xB;
	s6 =	sadd.s32 @p5 s4, s6;
	s7 =	sadd.s32 @p6 s4, s18;
	s10 =	sshll.u32 @!p3 s24, $0x3  }
0x3b: {  	(v2sf) =	vpush v4, $0xC;
	s24 =	sshll.u32 @p3 s24, $0x6;
	s30 =	smov.u32 @p6 s7;
	s7 =	sand.u32 @!p3 $0x1FFFFFF8, s10  }
.LBB2_2:
0x3c: {  	s5 =	sand.u32 @!p5 $0x1FFFFFF8, s5;
	s18 =	sadd.s32 @p3 $0xFE0C0000, s24  }
0x3d: {  	s1 =	smov.u32 s13;
	s9 =	sadd.s32 $0x1000, s13;
	p0 =	por p1, p1  }
0x3e: {  	[tilespmem:s20], [sflag:$0x1] =	stream.linear.gather [hbm4b:s23+s11], $0x40, $0x38;
	[tilespmem:$0x8200] =	vst v63  }
0x3f: {  	s26 =	smov.u32 @p2 s2;
	s2 =	sadd.s32 $0x440, s12;
	s24 =	sadd.s32 $0x480, s12  }
0x40: {  	s8 =	sadd.s32 $0x380, s12;
	s13 =	smov.u32 s14;
	s14 =	simm.s32 $0x0  }
0x41: {  	s11 =	sadd.s32 $0x280, s12;
	[dreg:$0x4] =	wrdreg s1;
	s10 =	sadd.s32 @!p5 s3, s5  }
0x42: {  	(v2sf) =	vpush v4, $0xD;
	s5 =	sshrl.u32 @p3 s18, $0x3;
	s18 =	sadd.s32 @!p3 s3, s7;
	s7 =	sadd.s32 @!p1 s3, s22  }
0x43: {  	p1 =	sgt.s32 s0, $0x7CFFF;
	s22 =	sadd.s32 $0x400, s12;
	s20 =	smov.u32 s9  }
0x44: {  	s9 =	sadd.s32 $0x2C0, s12;
	s10 =	smov.u32 @p5 s6;
	s7 =	smov.u32 @p0 s31  }
0x45: {  	[tilespmem:s17], [sflag:$0x1] =	stream.linear.gather [hbm4b:s7+s14], $0x40, $0x38;
	[tilespmem:$0x8200] =	vst v63  }
0x46: {  	s5 =	sadd.s32 @p3 s4, s5;
	s31 =	sadd.s32 $0x340, s12;
	p0 =	sgt.s32 s28, $0x7CFFF  }
0x47: {  	[tilespmem:s11], [sflag:$0x1] =	stream.linear.gather [hbm4b:s19+s14], $0x40, $0x38;
	[tilespmem:$0x8200] =	vst v63  }
0x48: {  	s18 =	smov.u32 @p3 s5;
	s5 =	sshll.u32 @p1 s0, $0x6;
	s0 =	sshll.u32 @!p1 s0, $0x3  }
0x49: {  	[tilespmem:s9], [sflag:$0x1] =	stream.linear.gather [hbm4b:s25+s14], $0x40, $0x38;
	[tilespmem:$0x8200] =	vst v63  }
0x4a: {  	s7 =	sshll.u32 @p0 s28, $0x6;
	s5 =	sadd.s32 @p1 $0xFE0C0000, s5;
	s23 =	sand.u32 @!p1 $0x1FFFFFF8, s0  }
0x4b: {  	[tilespmem:s15], [sflag:$0x1] =	stream.linear.gather [hbm4b:s21+s14], $0x40, $0x38;
	[tilespmem:$0x8200] =	vst v63  }
0x4c: {  	s7 =	sadd.s32 @p0 $0xFE0C0000, s7;
	s5 =	sshrl.u32 @p1 s5, $0x3;
	s23 =	sadd.s32 @!p1 s3, s23  }
0x4d: {  	[tilespmem:s31], [sflag:$0x1] =	stream.linear.gather [hbm4b:s29+s14], $0x40, $0x38;
	[tilespmem:$0x8200] =	vst v63  }
0x4e: {  	s11 =	sshll.u32 @!p0 s28, $0x3;
	s5 =	sadd.s32 @p1 s4, s5;
	s6 =	spop (v2sf)  }
0x4f: {  	[tilespmem:s8], [sflag:$0x1] =	stream.linear.gather [hbm4b:s26+s14], $0x40, $0x38;
	[tilespmem:$0x8200] =	vst v63  }
0x50: {  	s25 =	sadd.s32 $0x3C0, s12;
	s0 =	spop (v2sf);
	p3 =	sgt.s32 s6, $0x7CFFF  }
0x51: {  	s1 =	sshll.u32 @!p3 s6, $0x3;
	s6 =	sshll.u32 @p3 s6, $0x6;
	s17 =	spop (v2sf)  }
0x52: {  	(v2sf) =	vpush v4, $0xF;
	[tilespmem:s25], [sflag:$0x1] =	stream.linear.gather [hbm4b:s10+s14], $0x40, $0x38;
	[tilespmem:$0x8200] =	vst v63  }
0x53: {  	s11 =	sand.u32 @!p0 $0x1FFFFFF8, s11;
	s23 =	smov.u32 @p1 s5;
	s6 =	sadd.s32 @p3 $0xFE0C0000, s6  }
0x54: {  	s1 =	sand.u32 @!p3 $0x1FFFFFF8, s1;
	p2 =	sgt.s32 s17, $0x7CFFF;
	s6 =	sshrl.u32 @p3 s6, $0x3  }
0x55: {  	s1 =	sadd.s32 @!p3 s3, s1;
	s9 =	sshll.u32 @p2 s17, $0x6;
	s6 =	sadd.s32 @p3 s4, s6  }
0x56: {  	p1 =	sgt.s32 s0, $0x7CFFF;
	s1 =	smov.u32 @p3 s6;
	s6 =	sadd.s32 @p2 $0xFE0C0000, s9  }
0x57: {  	s9 =	sadd.s32 @!p0 s3, s11;
	s11 =	sshll.u32 @!p2 s17, $0x3;
	s6 =	sshrl.u32 @p2 s6, $0x3  }
0x58: {  	s5 =	sadd.s32 @p2 s4, s6;
	s6 =	sand.u32 @!p2 $0x1FFFFFF8, s11;
	s11 =	simm.s32 $0x0  }
0x59: {  	[tilespmem:s22], [sflag:$0x1] =	stream.linear.gather [hbm4b:s30+s11], $0x40, $0x38;
	[tilespmem:$0x8200] =	vst v63  }
0x5a: {  	s7 =	sshrl.u32 @p0 s7, $0x3;
	s8 =	sshll.u32 @p1 s0, $0x6;
	s0 =	sshll.u32 @!p1 s0, $0x3  }
0x5b: {  	[tilespmem:s2], [sflag:$0x1] =	stream.linear.gather [hbm4b:s18+s11], $0x40, $0x38;
	[tilespmem:$0x8200] =	vst v63  }
0x5c: {  	s26 =	sadd.s32 $0x500, s12;
	s0 =	sand.u32 @!p1 $0x1FFFFFF8, s0;
	s6 =	sadd.s32 @!p2 s3, s6  }
0x5d: {  	[tilespmem:s24], [sflag:$0x1] =	stream.linear.gather [hbm4b:s23+s11], $0x40, $0x38;
	[tilespmem:$0x8200] =	vst v63  }
0x5e: {  	s0 =	sadd.s32 @!p1 s3, s0;
	s6 =	smov.u32 @p2 s5;
	s2 =	sadd.s32 @p1 $0xFE0C0000, s8  }
0x5f: {  	[tilespmem:s13], [sflag:$0x1] =	stream.linear.gather [hbm4b:s1+s11], $0x40, $0x38;
	[tilespmem:$0x8200] =	vst v63  }
0x60: {  	s5 =	sadd.s32 @p0 s4, s7;
	s7 =	sadd.s32 $0x580, s12;
	s1 =	sshrl.u32 @p1 s2, $0x3  }
0x61: {  	s9 =	smov.u32 @p0 s5;
	s1 =	sadd.s32 @p1 s4, s1;
	s2 =	spop (v2sf)  }
0x62: {  	s0 =	smov.u32 @p1 s1;
	p1 =	sne.s32 s20, $0x20000;
	p0 =	sgt.s32 s2, $0x7CFFF  }
0x63: {  	[tilespmem:s26], [sflag:$0x1] =	stream.linear.gather [hbm4b:s0+s11], $0x40, $0x38;
	[tilespmem:$0x8200] =	vst v63  }
0x64: {  	s5 =	sadd.s32 $0x540, s12;
	s0 =	simm.s32 @!p1 $0x0;
	s1 =	sshll.u32 @p0 s2, $0x6  }
0x65: {  	[tilespmem:s5], [sflag:$0x1] =	stream.linear.gather [hbm4b:s6+s11], $0x40, $0x38;
	[tilespmem:$0x8200] =	vst v63  }
0x66: {  	s2 =	sshll.u32 @!p0 s2, $0x3;
	s0 =	simm.s32 @p1 $0x1;
	s1 =	sadd.s32 @p0 $0xFE0C0000, s1  }
0x67: {  	s2 =	sand.u32 @!p0 $0x1FFFFFF8, s2;
	[smem:$0x7FC] =	sst s0;
	s0 =	sshrl.u32 @p0 s1, $0x3  }
0x68: {  	[tilespmem:s7], [sflag:$0x1] =	stream.linear.gather [hbm4b:s9+s11], $0x40, $0x38;
	[tilespmem:$0x8200] =	vst v63  }
0x69: {  	s16 =	sadd.s32 $0x10, s16;
	s1 =	sadd.s32 @!p0 s3, s2;
	s0 =	sadd.s32 @p0 s4, s0  }
0x6a: {  	s8 =	sadd.s32 $0x5C0, s12;
	s18 =	simm.s32 $0x0;
	s1 =	smov.u32 @p0 s0  }
0x6b: {  	[tilespmem:s8], [sflag:$0x1] =	stream.linear.gather [hbm4b:s1+s18], $0x40, $0x38;
	[tilespmem:$0x8200] =	vst v63  }
0x6c: {  	v4 =	vld [tilespmem:s16+$0x0];
	_ =	sdelay $0x4  }
0x6d: {  	(v2sf) =	vpush v4, $0x7  }
0x6e: {  	(v2sf) =	vpush v4, $0x2  }
0x6f: {  	(v2sf) =	vpush v4, $0x0  }
0x70: {  	(v2sf) =	vpush v4, $0x1;
	_ =	sdelay $0x2  }
0x71: {  	(v2sf) =	vpush v4, $0x3;
	_ =	sdelay $0x1  }
0x72: {  	(v2sf) =	vpush v4, $0x4;
	_ =	sdelay $0x6  }
0x73: {  	s24 =	spop (v2sf)  }
0x74: {  	s0 =	spop (v2sf)  }
0x75: {  	s9 =	rddreg [dreg:$0x4];
	(v2sf) =	vpush v4, $0x5;
	p2 =	sgt.s32 s0, $0x7CFFF;
	s1 =	spop (v2sf)  }
0x76: {  	s12 =	sshra.s32 s9, $0x2;
	s2 =	sshll.u32 @p2 s0, $0x6;
	s5 =	spop (v2sf)  }
0x77: {  	s0 =	sshll.u32 @!p2 s0, $0x3;
	p3 =	sgt.s32 s1, $0x7CFFF;
	p0 =	sgt.s32 s5, $0x7CFFF  }
0x78: {  	(v2sf) =	vpush v4, $0x6;
	s2 =	sadd.s32 @p2 $0xFE0C0000, s2;
	s6 =	sshll.u32 @!p3 s1, $0x3;
	s0 =	sand.u32 @!p2 $0x1FFFFFF8, s0  }
0x79: {  	s7 =	spop (v2sf);
	s1 =	sshll.u32 @p3 s1, $0x6;
	s8 =	sshll.u32 @!p0 s5, $0x3  }
0x7a: {  	s2 =	sshrl.u32 @p2 s2, $0x3;
	s19 =	sadd.s32 @!p2 s3, s0;
	s0 =	sshll.u32 @p0 s5, $0x6  }
0x7b: {  	p5 =	sgt.s32 s7, $0x7CFFF;
	s5 =	spop (v2sf);
	s1 =	sadd.s32 @p3 $0xFE0C0000, s1  }
0x7c: {  	(v2sf) =	vpush v4, $0x8;
	s6 =	sand.u32 @!p3 $0x1FFFFFF8, s6;
	p1 =	por p0, p0;
	s22 =	sand.u32 @!p0 $0x1FFFFFF8, s8  }
0x7d: {  	s0 =	sadd.s32 @p0 $0xFE0C0000, s0;
	p4 =	sgt.s32 s5, $0x7CFFF;
	s23 =	sadd.s32 @!p3 s3, s6  }
0x7e: {  	s2 =	sadd.s32 @p2 s4, s2;
	s8 =	sshll.u32 @p5 s7, $0x6;
	s7 =	sshll.u32 @!p5 s7, $0x3  }
0x7f: {  	s1 =	sshrl.u32 @p3 s1, $0x3;
	s6 =	sshll.u32 @p4 s5, $0x6;
	s5 =	sshll.u32 @!p4 s5, $0x3  }
0x80: {  	s0 =	sshrl.u32 @p0 s0, $0x3;
	s8 =	sadd.s32 @p5 $0xFE0C0000, s8;
	s7 =	sand.u32 @!p5 $0x1FFFFFF8, s7  }
0x81: {  	s19 =	smov.u32 @p2 s2;
	s1 =	sadd.s32 @p3 s4, s1;
	s6 =	sadd.s32 @p4 $0xFE0C0000, s6  }
0x82: {  	s5 =	sand.u32 @!p4 $0x1FFFFFF8, s5;
	s31 =	sadd.s32 @p0 s4, s0;
	s0 =	sshrl.u32 @p5 s8, $0x3  }
0x83: {  	(v2sf) =	vpush v4, $0xA;
	s25 =	sadd.s32 @!p5 s3, s7;
	s23 =	smov.u32 @p3 s1;
	s21 =	sadd.s32 @!p4 s3, s5  }
0x84: {  	(v2sf) =	vpush v4, $0x9;
	s5 =	spop (v2sf);
	s6 =	sshrl.u32 @p4 s6, $0x3;
	s0 =	sadd.s32 @p5 s4, s0  }
0x85: {  	p6 =	sgt.s32 s5, $0x7CFFF;
	s10 =	sadd.s32 @p4 s4, s6;
	s25 =	smov.u32 @p5 s0  }
0x86: {  	p5 =	sgt.s32 s24, $0x7CFFF;
	s6 =	sshll.u32 @p6 s5, $0x6;
	s5 =	sshll.u32 @!p6 s5, $0x3  }
0x87: {  	(v2sf) =	vpush v4, $0xE;
	s1 =	sshll.u32 @p5 s24, $0x6;
	s21 =	smov.u32 @p4 s10;
	s2 =	spop (v2sf)  }
0x88: {  	s10 =	sld [smem:$0x7FC];
	s6 =	sadd.s32 @p6 $0xFE0C0000, s6;
	p2 =	sgt.s32 s2, $0x7CFFF  }
0x89: {  	s5 =	sand.u32 @!p6 $0x1FFFFFF8, s5;
	s1 =	sadd.s32 @p5 $0xFE0C0000, s1;
	s7 =	sshll.u32 @p2 s2, $0x6  }
0x8a: {  	s6 =	sshrl.u32 @p6 s6, $0x3;
	s29 =	sadd.s32 @!p6 s3, s5;
	s7 =	sadd.s32 @p2 $0xFE0C0000, s7  }
0x8b: {  	s8 =	sshll.u32 @!p2 s2, $0x3;
	s0 =	sshrl.u32 @p2 s7, $0x3;
	s7 =	spop (v2sf)  }
0x8c: {  	s2 =	sadd.s32 @p2 s4, s0;
	s0 =	sand.u32 @!p2 $0x1FFFFFF8, s8;
	p0 =	sgt.s32 s7, $0x7CFFF  }
0x8d: {  	s6 =	sadd.s32 @p6 s4, s6;
	s26 =	sadd.s32 @!p2 s3, s0;
	s0 =	sshll.u32 @p0 s7, $0x6  }
0x8e: {  	s29 =	smov.u32 @p6 s6;
	s7 =	sshll.u32 @!p0 s7, $0x3;
	s6 =	sadd.s32 @p0 $0xFE0C0000, s0  }
0x8f: {  	s1 =	sshrl.u32 @p5 s1, $0x3;
	s7 =	sand.u32 @!p0 $0x1FFFFFF8, s7;
	s9 =	sshrl.u32 @p0 s6, $0x3  }
0x90: {  	s30 =	sadd.s32 @!p0 s3, s7;
	s6 =	sadd.s32 @p5 s4, s1;
	s1 =	sadd.s32 @p0 s4, s9  }
0x91: {  	s30 =	smov.u32 @p0 s1;
	p0 =	seq.s32 s10, $0x1  }
.Ltmp0:
0x92: {  	s0 =	spop (v2sf);
	(pc) =	sbr.rel @p0 .LBB2_2-.Ltmp0, $4  }
0x93: {  	s13 =	smov.u32 s20;
	s15 =	sadd.s32 $0x300, s12;
	s8 =	spop (v2sf)  }
0x94: {  	s17 =	sadd.s32 $0x240, s12;
	s20 =	sadd.s32 $0x200, s12;
	p3 =	sgt.s32 s8, $0x7CFFF  }
0x95: {  	s14 =	sadd.s32 $0x4C0, s12;
	s5 =	sshll.u32 @!p5 s24, $0x3;
	(v2sf) =	vpush v4, $0xB;
	s7 =	sshll.u32 @!p3 s8, $0x3  }
0x96: {  	(v2sf) =	vpush v4, $0xC;
	s28 =	spop (v2sf);
	s24 =	sshll.u32 @p3 s8, $0x6;
	s7 =	sand.u32 @!p3 $0x1FFFFFF8, s7  }
0x97: {  	[tilespmem:s20], [sflag:$0x1] =	stream.linear.gather [hbm4b:s23+s11], $0x40, $0x38;
	[tilespmem:$0x8200] =	vst v63  }
0x98: {  	s1 =	sadd.s32 @!p1 s3, s22  }
0x99: {  	s1 =	smov.u32 @p1 s31  }
0x9a: {  	[tilespmem:s17], [sflag:$0x1] =	stream.linear.gather [hbm4b:s1+s11], $0x40, $0x38;
	[tilespmem:$0x8200] =	vst v63  }
0x9b: {  	s17 =	sadd.s32 $0x280, s12  }
0x9c: {  	[tilespmem:s17], [sflag:$0x1] =	stream.linear.gather [hbm4b:s19+s11], $0x40, $0x38;
	[tilespmem:$0x8200] =	vst v63  }
0x9d: {  	s19 =	sadd.s32 $0x2C0, s12  }
0x9e: {  	[tilespmem:s19], [sflag:$0x1] =	stream.linear.gather [hbm4b:s25+s11], $0x40, $0x38;
	[tilespmem:$0x8200] =	vst v63  }
0x9f: {  	_ = 	snop  }
0xa0: {  	[tilespmem:s15], [sflag:$0x1] =	stream.linear.gather [hbm4b:s21+s11], $0x40, $0x38;
	[tilespmem:$0x8200] =	vst v63  }
0xa1: {  	s20 =	sadd.s32 $0x340, s12;
	s1 =	sand.u32 @!p5 $0x1FFFFFF8, s5  }
0xa2: {  	[tilespmem:s20], [sflag:$0x1] =	stream.linear.gather [hbm4b:s29+s11], $0x40, $0x38;
	[tilespmem:$0x8200] =	vst v63  }
0xa3: {  	s26 =	smov.u32 @p2 s2;
	s1 =	sadd.s32 @!p5 s3, s1;
	s21 =	sadd.s32 $0x380, s12  }
0xa4: {  	[tilespmem:s21], [sflag:$0x1] =	stream.linear.gather [hbm4b:s26+s11], $0x40, $0x38;
	[tilespmem:$0x8200] =	vst v63  }
0xa5: {  	s22 =	sadd.s32 $0x3C0, s12;
	s1 =	smov.u32 @p5 s6  }
0xa6: {  	[tilespmem:s22], [sflag:$0x1] =	stream.linear.gather [hbm4b:s1+s11], $0x40, $0x38;
	[tilespmem:$0x8200] =	vst v63  }
0xa7: {  	s1 =	sadd.s32 @p3 $0xFE0C0000, s24  }
0xa8: {  	s23 =	sadd.s32 $0x400, s12;
	s1 =	sshrl.u32 @p3 s1, $0x3  }
0xa9: {  	[tilespmem:s23], [sflag:$0x1] =	stream.linear.gather [hbm4b:s30+s11], $0x40, $0x38;
	[tilespmem:$0x8200] =	vst v63  }
0xaa: {  	s2 =	sadd.s32 @!p3 s3, s7;
	p0 =	sgt.s32 s0, $0x7CFFF;
	s1 =	sadd.s32 @p3 s4, s1  }
0xab: {  	s24 =	sadd.s32 $0x440, s12;
	s2 =	smov.u32 @p3 s1;
	s1 =	sshll.u32 @p0 s0, $0x6  }
0xac: {  	[tilespmem:s24], [sflag:$0x1] =	stream.linear.gather [hbm4b:s2+s11], $0x40, $0x38;
	[tilespmem:$0x8200] =	vst v63  }
0xad: {  	s0 =	sshll.u32 @!p0 s0, $0x3;
	s1 =	sadd.s32 @p0 $0xFE0C0000, s1  }
0xae: {  	s0 =	sand.u32 @!p0 $0x1FFFFFF8, s0;
	s1 =	sshrl.u32 @p0 s1, $0x3  }
0xaf: {  	s0 =	sadd.s32 @!p0 s3, s0;
	s1 =	sadd.s32 @p0 s4, s1  }
0xb0: {  	s25 =	sadd.s32 $0x480, s12;
	s0 =	smov.u32 @p0 s1  }
0xb1: {  	[tilespmem:s25], [sflag:$0x1] =	stream.linear.gather [hbm4b:s0+s11], $0x40, $0x38;
	[tilespmem:$0x8200] =	vst v63  }
0xb2: {  	s0 =	spop (v2sf)  }
0xb3: {  	(v2sf) =	vpush v4, $0xD;
	p0 =	sgt.s32 s0, $0x7CFFF  }
0xb4: {  	s1 =	sshll.u32 @p0 s0, $0x6  }
0xb5: {  	s0 =	sshll.u32 @!p0 s0, $0x3;
	s1 =	sadd.s32 @p0 $0xFE0C0000, s1  }
0xb6: {  	s0 =	sand.u32 @!p0 $0x1FFFFFF8, s0;
	s1 =	sshrl.u32 @p0 s1, $0x3  }
0xb7: {  	s0 =	sadd.s32 @!p0 s3, s0;
	s1 =	sadd.s32 @p0 s4, s1  }
0xb8: {  	s0 =	smov.u32 @p0 s1  }
0xb9: {  	[tilespmem:s14], [sflag:$0x1] =	stream.linear.gather [hbm4b:s0+s11], $0x40, $0x38;
	[tilespmem:$0x8200] =	vst v63  }
0xba: {  	s0 =	spop (v2sf)  }
0xbb: {  	p0 =	sgt.s32 s0, $0x7CFFF  }
0xbc: {  	s1 =	sshll.u32 @p0 s0, $0x6  }
0xbd: {  	s0 =	sshll.u32 @!p0 s0, $0x3;
	s1 =	sadd.s32 @p0 $0xFE0C0000, s1  }
0xbe: {  	s0 =	sand.u32 @!p0 $0x1FFFFFF8, s0;
	s1 =	sshrl.u32 @p0 s1, $0x3  }
0xbf: {  	(v2sf) =	vpush v4, $0xF;
	s0 =	sadd.s32 @!p0 s3, s0;
	s1 =	sadd.s32 @p0 s4, s1  }
0xc0: {  	s26 =	sadd.s32 $0x500, s12;
	s0 =	smov.u32 @p0 s1  }
0xc1: {  	[tilespmem:s26], [sflag:$0x1] =	stream.linear.gather [hbm4b:s0+s11], $0x40, $0x38;
	[tilespmem:$0x8200] =	vst v63  }
0xc2: {  	s0 =	spop (v2sf)  }
0xc3: {  	p0 =	sgt.s32 s0, $0x7CFFF  }
0xc4: {  	s1 =	sshll.u32 @p0 s0, $0x6  }
0xc5: {  	s0 =	sshll.u32 @!p0 s0, $0x3;
	s1 =	sadd.s32 @p0 $0xFE0C0000, s1  }
0xc6: {  	s0 =	sand.u32 @!p0 $0x1FFFFFF8, s0;
	s1 =	sshrl.u32 @p0 s1, $0x3  }
0xc7: {  	s0 =	sadd.s32 @!p0 s3, s0;
	s1 =	sadd.s32 @p0 s4, s1  }
0xc8: {  	s29 =	sadd.s32 $0x540, s12;
	s0 =	smov.u32 @p0 s1;
	p0 =	sgt.s32 s28, $0x7CFFF  }
0xc9: {  	[tilespmem:s29], [sflag:$0x1] =	stream.linear.gather [hbm4b:s0+s11], $0x40, $0x38;
	[tilespmem:$0x8200] =	vst v63  }
0xca: {  	s0 =	sshll.u32 @p0 s28, $0x6  }
0xcb: {  	s1 =	sshll.u32 @!p0 s28, $0x3;
	s0 =	sadd.s32 @p0 $0xFE0C0000, s0  }
0xcc: {  	s1 =	sand.u32 @!p0 $0x1FFFFFF8, s1;
	s0 =	sshrl.u32 @p0 s0, $0x3  }
0xcd: {  	s1 =	sadd.s32 @!p0 s3, s1;
	s0 =	sadd.s32 @p0 s4, s0  }
0xce: {  	s30 =	sadd.s32 $0x580, s12;
	s1 =	smov.u32 @p0 s0;
	s0 =	spop (v2sf)  }
0xcf: {  	[tilespmem:s30], [sflag:$0x1] =	stream.linear.gather [hbm4b:s1+s11], $0x40, $0x38;
	[tilespmem:$0x8200] =	vst v63  }
0xd0: {  	p0 =	sgt.s32 s0, $0x7CFFF  }
0xd1: {  	s1 =	sshll.u32 @p0 s0, $0x6  }
0xd2: {  	s0 =	sshll.u32 @!p0 s0, $0x3;
	s1 =	sadd.s32 @p0 $0xFE0C0000, s1  }
0xd3: {  	s0 =	sand.u32 @!p0 $0x1FFFFFF8, s0;
	s1 =	sshrl.u32 @p0 s1, $0x3  }
0xd4: {  	s0 =	sadd.s32 @!p0 s3, s0;
	s1 =	sadd.s32 @p0 s4, s1  }
0xd5: {  	s31 =	sadd.s32 $0x5C0, s12;
	s0 =	smov.u32 @p0 s1;
	s1 =	simm.s32 $0x1  }
0xd6: {  	[tilespmem:s31], [sflag:$0x1] =	stream.linear.gather [hbm4b:s0+s18], $0x40, $0x38;
	[tilespmem:$0x8200] =	vst v63  }
0xd7: {  	_ =	swait.ge [sflag:s1], $0x40  }
0xd8: {  	[sflag:s1] =	ssyncset.done $0x0  }
0xd9: {  	s12 =	simm.s32 $0x0;
	[sflag:s1] =	ssyncadd.s32 $0xFFFFFFC0  }
0xda: {  	v6 =	vld [tilespmem:s12+$0x200]  }
0xdb: {  	v4 =	vld [tilespmem:s12+$0x210];
	_ =	sdelay $0x1  }
0xdc: {  	v5 =	vld [tilespmem:s12+$0x220];
	_ =	sdelay $0x1  }
0xdd: {  	v8 =	vld [tilespmem:s12+$0x230]  }
0xde: {  	v7 =	vmul.f32 v6, v6;
	v9 =	vmul.f32 v4, v4;
	_ =	sdelay $0x1  }
0xdf: {  	v10 =	vmul.f32 v5, v5;
	v7 =	vadd.f32 v9, v7;
	_ =	sdelay $0x1  }
0xe0: {  	v9 =	vmul.f32 v8, v8;
	v7 =	vadd.f32 v10, v7;
	_ =	sdelay $0x1  }
0xe1: {  	v7 =	vadd.f32 v9, v7;
	_ =	sdelay $0x1  }
0xe2: {  	v9 =	vperm.xlane v7, v0;
	_ =	sdelay $0x1  }
0xe3: {  	v7 =	vadd.f32 v7, v9;
	_ =	sdelay $0x1  }
0xe4: {  	v9 =	vperm.xlane v7, v1;
	_ =	sdelay $0x1  }
0xe5: {  	v7 =	vadd.f32 v7, v9;
	_ =	sdelay $0x1  }
0xe6: {  	v9 =	vperm.xlane v7, v2;
	_ =	sdelay $0x1  }
0xe7: {  	v7 =	vadd.f32 v7, v9;
	_ =	sdelay $0x1  }
0xe8: {  	v9 =	vperm.xlane v7, v3;
	_ =	sdelay $0x1  }
0xe9: {  	v7 =	vadd.f32 v7, v9;
	_ =	sdelay $0x1  }
0xea: {  	v7 =	vmax.f32 v7, $1.000000000e-30  }
0xeb: {  	v9 =	vshra.s32 v7, $0x1;
	v10 =	vmul.f32 $5.000000000e-01, v7  }
0xec: {  	v9 =	vsub.s32 $0x5F3759DF, v9  }
0xed: {  	v11 =	vmul.f32 v9, v10;
	_ =	sdelay $0x1  }
0xee: {  	v11 =	vmul.f32 v9, v11;
	_ =	sdelay $0x1  }
0xef: {  	v11 =	vsub.f32 $1.500000000e+00, v11;
	_ =	sdelay $0x1  }
0xf0: {  	v9 =	vmul.f32 v9, v11;
	_ =	sdelay $0x1  }
0xf1: {  	v11 =	vmul.f32 v9, v10;
	_ =	sdelay $0x1  }
0xf2: {  	v11 =	vmul.f32 v11, v9;
	_ =	sdelay $0x1  }
0xf3: {  	v11 =	vsub.f32 $1.500000000e+00, v11;
	_ =	sdelay $0x1  }
0xf4: {  	v9 =	vmul.f32 v11, v9;
	_ =	sdelay $0x1  }
0xf5: {  	v10 =	vmul.f32 v9, v10;
	_ =	sdelay $0x1  }
0xf6: {  	v10 =	vmul.f32 v10, v9;
	_ =	sdelay $0x1  }
0xf7: {  	v10 =	vsub.f32 $1.500000000e+00, v10;
	_ =	sdelay $0x1  }
0xf8: {  	v9 =	vmul.f32 v10, v9;
	_ =	sdelay $0x1  }
0xf9: {  	v7 =	vmul.f32 v9, v7;
	_ =	sdelay $0x1  }
0xfa: {  	v7 =	vmax.f32 v7, $9.999999960e-13  }
0xfb: {  	(erf) = vrcp.f32 v7;
	_ =	sdelay $0x8  }
0xfc: {  	v7 =	vpop (erf)  }
0xfd: {  	s13 =	simm.s32 $0x100;
	v6 =	vmul.f32 v7, v6;
	v8 =	vmul.f32 v7, v8  }
.LBB2_4:
0xfe: {  	p0 =	sne.s32 s13, $0x1FF00;
	v4 =	vmul.f32 v7, v4;
	v5 =	vmul.f32 v7, v5;
	s0 =	smov.u32 s13;
	s13 =	sadd.s32 $0x100, s13  }
0xff: {  	[tilespmem:s12+$0x230] =	vst v8  }
0x100: {  	[tilespmem:s12+$0x200] =	vst v6  }
0x101: {  	[tilespmem:s12+$0x210] =	vst v4  }
0x102: {  	[tilespmem:s12+$0x220] =	vst v5  }
0x103: {  	_ =	swait.ge [sflag:s1], $0x40  }
0x104: {  	[sflag:s1] =	ssyncset.done $0x0  }
0x105: {  	s12 =	sshra.s32 s0, $0x2;
	[sflag:s1] =	ssyncadd.s32 $0xFFFFFFC0  }
0x106: {  	v6 =	vld [tilespmem:s12+$0x200]  }
0x107: {  	v4 =	vld [tilespmem:s12+$0x210]  }
0x108: {  	v5 =	vld [tilespmem:s12+$0x220];
	_ =	sdelay $0x1  }
0x109: {  	v8 =	vld [tilespmem:s12+$0x230]  }
0x10a: {  	v7 =	vmul.f32 v6, v6  }
0x10b: {  	v9 =	vmul.f32 v4, v4  }
0x10c: {  	v10 =	vmul.f32 v5, v5  }
0x10d: {  	v7 =	vadd.f32 v9, v7  }
0x10e: {  	v9 =	vmul.f32 v8, v8  }
0x10f: {  	v7 =	vadd.f32 v10, v7;
	_ =	sdelay $0x1  }
0x110: {  	v7 =	vadd.f32 v9, v7;
	_ =	sdelay $0x1  }
0x111: {  	v9 =	vperm.xlane v7, v0;
	_ =	sdelay $0x1  }
0x112: {  	v7 =	vadd.f32 v7, v9;
	_ =	sdelay $0x1  }
0x113: {  	v9 =	vperm.xlane v7, v1;
	_ =	sdelay $0x1  }
0x114: {  	v7 =	vadd.f32 v7, v9;
	_ =	sdelay $0x1  }
0x115: {  	v9 =	vperm.xlane v7, v2;
	_ =	sdelay $0x1  }
0x116: {  	v7 =	vadd.f32 v7, v9;
	_ =	sdelay $0x1  }
0x117: {  	v9 =	vperm.xlane v7, v3;
	_ =	sdelay $0x1  }
0x118: {  	v7 =	vadd.f32 v7, v9;
	_ =	sdelay $0x1  }
0x119: {  	v7 =	vmax.f32 v7, $1.000000000e-30  }
0x11a: {  	v9 =	vshra.s32 v7, $0x1;
	v10 =	vmul.f32 $5.000000000e-01, v7  }
0x11b: {  	v9 =	vsub.s32 $0x5F3759DF, v9  }
0x11c: {  	v11 =	vmul.f32 v9, v10;
	_ =	sdelay $0x1  }
0x11d: {  	v11 =	vmul.f32 v9, v11;
	_ =	sdelay $0x1  }
0x11e: {  	v11 =	vsub.f32 $1.500000000e+00, v11;
	_ =	sdelay $0x1  }
0x11f: {  	v9 =	vmul.f32 v9, v11;
	_ =	sdelay $0x1  }
0x120: {  	v11 =	vmul.f32 v9, v10;
	_ =	sdelay $0x1  }
0x121: {  	v11 =	vmul.f32 v11, v9;
	_ =	sdelay $0x1  }
0x122: {  	v11 =	vsub.f32 $1.500000000e+00, v11;
	_ =	sdelay $0x1  }
0x123: {  	v9 =	vmul.f32 v11, v9;
	_ =	sdelay $0x1  }
0x124: {  	v10 =	vmul.f32 v9, v10;
	_ =	sdelay $0x1  }
0x125: {  	v10 =	vmul.f32 v10, v9;
	_ =	sdelay $0x1  }
0x126: {  	v10 =	vsub.f32 $1.500000000e+00, v10;
	_ =	sdelay $0x1  }
0x127: {  	v9 =	vmul.f32 v10, v9;
	_ =	sdelay $0x1  }
0x128: {  	v7 =	vmul.f32 v9, v7;
	_ =	sdelay $0x1  }
0x129: {  	v7 =	vmax.f32 v7, $9.999999960e-13  }
0x12a: {  	(erf) = vrcp.f32 v7;
	_ =	sdelay $0x5  }
.Ltmp1:
0x12b: {  	(pc) =	sbr.rel @p0 .LBB2_4-.Ltmp1, $3  }
0x12c: {  	_ =	sdelay $0x1  }
0x12d: {  	v7 =	vpop (erf)  }
0x12e: {  	v6 =	vmul.f32 v7, v6;
	v8 =	vmul.f32 v7, v8  }
0x12f: {  	_ = 	snop  }
0x130: {  	v4 =	vmul.f32 v7, v4;
	[tilespmem:s12+$0x230] =	vst v8  }
0x131: {  	v5 =	vmul.f32 v7, v5;
	[tilespmem:s12+$0x200] =	vst v6  }
0x132: {  	[tilespmem:s12+$0x210] =	vst v4  }
0x133: {  	s0 =	rddreg [dreg:$0x6];
	s1 =	simm.s32 $0x200;
	[tilespmem:s12+$0x220] =	vst v5  }
0x134: {  	[hbm4b:s0+s11] =	stream.linear.scatter [tilespmem:s1], [sflag:$0x2], $0x8000, $0x38;
	[tilespmem:$0x8200] =	vst v63  }
0x135: {  	s1 =	simm.s32 $0x2  }
0x136: {  	_ =	swait.ge [sflag:s1], $0x8000  }
0x137: {  	s2 =	rddreg [dreg:$0x8]  }
0x138: {  	s31 =	rddreg [dreg:$0x7];
	s2 =	sadd.s32 $0x1, s2  }
0x139: {  	p0 =	sne.s32 s2, s31  }
.Ltmp2:
0x13a: {  	_ = 	snop;
	(pc) =	sbr.rel @p0 .LBB2_1-.Ltmp2, $3  }
0x13b: {  	_ =	sdelay $0x1  }
0x13c: {  	[sflag:s1] =	ssyncset.done $0x0  }
0x13d: {  	[sflag:s1] =	ssyncadd.s32 $0xFFFF8000  }
0x13e: {  	_ =	sfence.sel $0x180000  }
0x13f: {  	[bflag:$0x0] =	sbarrier.arrive $0xFFFF  }
0x140: {  	_ =	strace $0x9000004D  }
0x141: {  	s0 =	stileid.u32;
	[bflag:$0x2] =	sbarrier.arrive $0xFFFF  }
0x142: {  	p0 =	sne.s32 s0, $0x0;
	s0 =	rddreg [dreg:$0x3]  }
0x143: {  	s0 =	sadd.s32 @!p0 $0x100000, s0  }
0x144: {  	[sflag:s0] =	ssyncadd.tile.s32 @!p0 $0x1;
	_ =	shalt  }
.Lfunc_end2:
_tile_overlayer_lowered:
.L_overlay_start_2:
0x145: {  	(tag) =	ssettag $0x2  }
0x146: {  	s0 =	rddreg [dreg:$0x0];
	s2 =	stileid.u32  }
0x147: {  	s1 =	rddreg [dreg:$0x1];
	p0 =	sne.s32 s2, $0x0  }
0x148: {  	s3 =	rddreg [dreg:$0x2];
	[bflag:$0x3] =	sbarrier.arrive $0xFFFF;
	s2 =	simm.s32 @!p0 $0x1C02  }
0x149: {  	[timem:s3], [sflag:s2] =	dma.local @!p0 [hbm:s0], s1  }
0x14a: {  	s0 =	simm.s32 @!p0 $0x2  }
0x14b: {  	_ =	swait.ge @!p0 [sflag:s0], s1  }
0x14c: {  	s1 =	ssub.s32 @!p0 $0x0, s1;
	[sflag:s0] =	ssyncset.done @!p0 $0x0  }
0x14d: {  	[sflag:s0] =	ssyncadd.s32 @!p0 s1  }
0x14e: {  	[bflag:$0x3] =	sbarrier.arrive $0xFFFF  }
0x14f: {  	_ =	shalt  }

// kernel: sparse-core-data-format-call.1.cloned.1.call-start
scs
called_computation.1_lowered:
.L_overlay_start_0:
0x0: {  	s2 =	sld [smem:$0x3FD9]  }
0x1: {  	s3 =	sld [smem:$0x3FFE];
	_ =	sdelay $0x1  }
0x2: {  	s1 =	srdreg.scid  }
0x3: {  	s0 =	sand.u32 $0x1, s1  }
0x4: {  	s18 =	sshll.u32 s0, $0xA;
	s2 =	sadd.s32 s3, s2  }
0x5: {  	s2 =	sadd.s32 s2, s18  }
0x6: {  	[smem:$0x3FC6] =	sst s2  }
0x7: {  	_ = 	snop  }
0x8: {  	(tm) =	ssettm $0x1  }
0x9: {  	s19 =	sld [smem:$0x3FFB];
	_ =	sdelay $0x3  }
0xa: {  	_ =	strace s19  }
0xb: {  	s2 =	sld [smem:$0x3FFC];
	_ =	sdelay $0x3  }
0xc: {  	_ =	strace s2  }
0xd: {  	s2 =	sld [smem:$0x3FFD];
	_ =	sdelay $0x3  }
0xe: {  	_ =	strace s2  }
0xf: {  	_ =	strace $0x8FFFFFFF  }
0x10: {  	s20 =	sld [smem:$0x3FDB];
	_ =	sdelay $0x1  }
0x11: {  	s21 =	simm.s32 $_scs_section_size  }
0x12: {  	s4 =	simm.s32 $_size__tile_overlayer_lowered;
	s5 =	simm.s32 $_tile_overlayer_lowered  }
0x13: {  	s6 =	simm.s32 $0x1BFF;
	s22 =	sshll.u32 s5, $0x1;
	s3 =	sadd.s32 s21, s20  }
0x14: {  	s23 =	simm.s32 $0x0;
	s4 =	sshll.u32 s4, $0x1;
	s5 =	sadd.s32 s22, s3  }
0x15: {  	[timem:s23], [sflag:s6] =	dma.local [hbm:s5], s4  }
0x16: {  	_ =	swait.ge [sflag:s6], s4  }
0x17: {  	s4 =	ssub.s32 $0x0, s4;
	[sflag:s6] =	ssyncset.done $0x0  }
0x18: {  	[sflag:s6] =	ssyncadd.s32 s4;
	_ =	sdelay $0x1  }
0x19: {  	s24 =	simm.s32 $0x1B8B  }
0x1a: {  	_ =	swait.ge [sflag:s24], $0x1  }
0x1b: {  	[sflag:s24] =	ssyncset.done $0x0  }
0x1c: {  	[sflag:s24] =	ssyncadd.s32 $0xFFFFFFFF  }
0x1d: {  	s4 =	sld [smem:$0x0]  }
0x1e: {  	s5 =	sand.u32 $0xFFFFFFFE, s1  }
0x1f: {  	p0 =	sne.s32 s1, s5  }
0x20: {  	s5 =	sshll.u32 @p0 s5, $0xE  }
0x21: {  	s5 =	sadd.s32 @p0 $0x11B8D, s5;
	s6 =	sshll.u32 @p0 s4, $0x11  }
0x22: {  	s5 =	sor.u32 @p0 s6, s5  }
0x23: {  	[sflag:s5] =	ssyncadd.remote.s32 @p0 $0x1;
	_ =	sdelay $0x1  }
0x24: {  	s5 =	simm.s32 @p0 $0x1B8D  }
0x25: {  	_ =	swait.eq @p0 [sflag:s5], $0x1  }
0x26: {  	[sflag:s5] =	ssyncadd.s32 @p0 $0xFFFFFFFF  }
0x27: {  	s6 =	sshll.u32 @!p0 s1, $0xE  }
0x28: {  	s6 =	sor.u32 @!p0 $0x4000, s6;
	s5 =	simm.s32 @!p0 $0x1B8D  }
0x29: {  	s4 =	sshll.u32 @!p0 s4, $0x11;
	s6 =	sadd.s32 @!p0 $0x11B8D, s6;
	_ =	swait.eq @!p0 [sflag:s5], $0x1  }
0x2a: {  	s4 =	sor.u32 @!p0 s4, s6;
	[sflag:s5] =	ssyncadd.s32 @!p0 $0xFFFFFFFF  }
0x2b: {  	s26 =	simm.s32 $0x1B8E;
	s25 =	sld [smem:$0x3FFE];
	[sflag:s4] =	ssyncadd.remote.s32 @!p0 $0x1  }
0x2c: {  	s27 =	simm.s32 $execute0_lowered;
	[smem:$0x3FD2] =	sst s26  }
0x2d: {  	s5 =	sshll.u32 s27, $0x1;
	_ =	strace $0x80000049;
	[dreg:$0x1] =	wrdreg $0xFFFFFFFF  }
0x2e: {  	s28 =	simm.s32 $_size_execute0_lowered;
	s3 =	sadd.s32 s3, s5;
	[dreg:$0x0] =	wrdreg $0x0  }
0x2f: {  	s5 =	sshll.u32 s28, $0x1;
	[dreg:$0x2] =	wrdreg s3  }
0x30: {  	[dreg:$0x3] =	wrdreg s5  }
0x31: {  	[dreg:$0x4] =	wrdreg $0xC0  }
0x32: {  	_ =	task [dreg:s23], $0x5FFFF  }
0x33: {  	[dreg:$0x1] =	wrdreg $0xFFFFFFFF  }
0x34: {  	[dreg:$0x0] =	wrdreg $0x60  }
0x35: {  	[dreg:$0x2] =	wrdreg s25  }
0x36: {  	[dreg:$0x3] =	wrdreg $0xA  }
0x37: {  	_ =	task.clear_ibuf [dreg:s23], $0x4FFFF;
	_ =	strace $0x90000049  }
0x38: {  	s29 =	simm.s32 $0xA;
	_ =	strace $0x8000004B  }
0x39: {  	_ =	swait.ge [sflag:s29], $0x1  }
0x3a: {  	[sflag:s29] =	ssyncadd.s32 $0xFFFFFFFF  }
0x3b: {  	_ =	strace $0x9000004B  }
0x3c: {  	_ =	sfence  }
0x3d: {  	s30 =	sld [smem:$0x0];
	_ =	sdelay $0x2  }
0x3e: {  	s31 =	sshll.u32 s1, $0xD;
	s1 =	sshrl.u32 s1, $0x2  }
0x3f: {  	s4 =	sand.u32 $0x4000, s31;
	s1 =	sadd.s32 s1, s30  }
0x40: {  	s0 =	sor.u32 s4, s0;
	s1 =	sshll.u32 s1, $0x11  }
0x41: {  	s0 =	sor.u32 s1, s0  }
0x42: {  	s0 =	sadd.s32 $0x8F2B, s0  }
0x43: {  	[sflag:s0] =	ssyncadd.remote.s32 $0x1  }
0x44: {  	_ =	sfence.sel $0xFFFF  }
0x45: {  	[dreg:$0x0] =	wrdreg $0xFFFFFFFF;
	(pc) =	sbr.abs _section_cstart, $3  }
0x46: {  	[dreg:$0x1] =	wrdreg $0xFFFFFFFF  }
0x47: {  	_ =	task.clear_ibuf [dreg:s23], $0x2FFFF;
	_ =	strace $0x9FFFFFFF  }
0x48: {  	(tm) =	ssettm $0x7FFFFFFF  }
0x49: {  	_ =	shalt  }
tec
execute0_lowered:
.L_overlay_start_1:
0x0: {  	(tag) =	ssettag $0x1  }
0x1: {  	s0 =	srdreg.scid  }
0x2: {  	s6 =	rddreg [dreg:$0x0];
	s7 =	simm.s32 $0x1;
	s1 =	sshll.u32 s0, $0x4  }
0x3: {  	s8 =	simm.s32 $0x2;
	s0 =	stileid.u32;
	s1 =	sand.u32 $0x10, s1  }
0x4: {  	s13 =	simm.s32 $0x0;
	s12 =	simm.s32 $0x0;
	s1 =	sor.u32 s0, s1  }
0x5: {  	s10 =	simm.s32 $0x0;
	s3 =	sadd.s32 $0xB2C400, s6;
	s2 =	sshll.u32 s1, $0x8  }
0x6: {  	s11 =	simm.s32 $0x0;
	s6 =	sadd.s32 $0xF14400, s6;
	s5 =	ssub.s32 $0x7D000, s2  }
.Ltmp0:
0x7: {  	s1 =	rddreg [dreg:$0x1];
	s4 =	sand.u32 $0x1F00, s5;
	(pc) =	sbr.rel .LBB1_1-.Ltmp0, $4  }
0x8: {  	_ =	strace $0x8000004A;
	s9 =	smov.u32 s2;
	p0 =	sne.s32 s4, $0x0  }
0x9: {  	s5 =	sshrl.u32 s5, $0xD;
	s4 =	simm.s32 $0x1;
	s7 =	simm.s32 @!p0 $0x0  }
0xa: {  	[sflag:s4] =	ssyncpa.u1 $0x0;
	p0 =	por $0x0, $0x0;
	s5 =	sadd.s32 s7, s5  }
0xb: {  	[sflag:s8] =	ssyncpa.u1 $0x0;
	s8 =	simm.s32 $0x80;
	s7 =	sadd.s32 $0x1, s5  }
.LBB1_4:
0xc: {  	_ =	sdelay $0x3  }
0xd: {  	s21 =	sor.u32 s24, s23;
	v47 =	vld.idx.msk [tilespmem:v0+s16+$0x470 ss:$0x1], $0xffff  }
0xe: {  	v57 =	vld.idx.msk [tilespmem:v0+s21+$0x410 ss:$0x1], $0xffff  }
0xf: {  	v58 =	vld.idx.msk [tilespmem:v0+s21+$0x420 ss:$0x1], $0xffff  }
0x10: {  	[tilespmem:s18+$0x1860 ss:$0x41] =	vst.msk $0xffff, v8;
	v59 =	vld.idx.msk [tilespmem:v0+s21+$0x430 ss:$0x1], $0xffff  }
0x11: {  	[tilespmem:s18+$0x1C70 ss:$0x41] =	vst.msk $0xffff, v7;
	v60 =	vld.idx.msk [tilespmem:v0+s21+$0x440 ss:$0x1], $0xffff  }
0x12: {  	[tilespmem:s18+$0x2490 ss:$0x41] =	vst.msk $0xffff, v1;
	s22 =	sand.u32 $0x3B00, s21;
	v61 =	vld.idx.msk [tilespmem:v0+s21+$0x450 ss:$0x1], $0xffff  }
0x13: {  	s20 =	sand.u32 $0x80, s20;
	[tilespmem:s18+$0x28A0 ss:$0x41] =	vst.msk $0xffff, v2;
	v62 =	vld.idx.msk [tilespmem:v0+s21+$0x460 ss:$0x1], $0xffff;
	s15 =	sadd.s32 s22, s15  }
0x14: {  	[tilespmem:s18+$0x2CB0 ss:$0x41] =	vst.msk $0xffff, v3;
	v63 =	vld.idx.msk [tilespmem:v0+s21+$0x470 ss:$0x1], $0xffff;
	s15 =	sadd.s32 s20, s15  }
0x15: {  	[tilespmem:s18+$0x30C0 ss:$0x41] =	vst.msk $0xffff, v4;
	v48 =	vld [tilespmem:s15+$0x400]  }
0x16: {  	[tilespmem:s18+$0x34D0 ss:$0x41] =	vst.msk $0xffff, v5;
	v49 =	vld [tilespmem:s15+$0x0]  }
0x17: {  	s25 =	sshra.s32 s19, $0x2;
	[tilespmem:s18+$0x38E0 ss:$0x41] =	vst.msk $0xffff, v6;
	v50 =	vld [tilespmem:s15+$0x10]  }
0x18: {  	s16 =	sadd.s32 s25, s17;
	v51 =	vld [tilespmem:s15+$0x20];
	[tilespmem:s18+$0x3CF0 ss:$0x41] =	vst.msk $0xffff, v47  }
0x19: {  	v52 =	vld [tilespmem:s15+$0x30];
	[tilespmem:s16+$0x2490 ss:$0x41] =	vst.msk $0xffff, v57  }
0x1a: {  	v53 =	vld [tilespmem:s15+$0x40];
	[tilespmem:s16+$0x28A0 ss:$0x41] =	vst.msk $0xffff, v58  }
0x1b: {  	v54 =	vld [tilespmem:s15+$0x50];
	[tilespmem:s16+$0x2CB0 ss:$0x41] =	vst.msk $0xffff, v59  }
0x1c: {  	s13 =	sshll.u32 s13, $0x7;
	s26 =	sshll.u32 s12, $0x3;
	v55 =	vld [tilespmem:s15+$0x60];
	[tilespmem:s16+$0x30C0 ss:$0x41] =	vst.msk $0xffff, v60  }
0x1d: {  	s27 =	sand.u32 $0xFFFFFC00, s13;
	v56 =	vld [tilespmem:s15+$0x70];
	s15 =	sand.u32 $0xFFFFFC00, s26;
	[tilespmem:s16+$0x34D0 ss:$0x41] =	vst.msk $0xffff, v61  }
0x1e: {  	s13 =	sand.u32 $0x380, s13;
	s15 =	sadd.s32 s15, s27;
	[tilespmem:s16+$0x38E0 ss:$0x41] =	vst.msk $0xffff, v62  }
0x1f: {  	s13 =	sor.u32 s13, s15;
	[tilespmem:s16+$0x3CF0 ss:$0x41] =	vst.msk $0xffff, v63  }
0x20: {  	s13 =	sshrl.u32 s13, $0x7;
	[tilespmem:s16+$0x2080 ss:$0x41] =	vst.msk $0xffff, v48  }
0x21: {  	s28 =	smulhi.u32 $0x20C49BB, s13;
	[tilespmem:s16+$0x0 ss:$0x41] =	vst.msk $0xffff, v49  }
0x22: {  	[tilespmem:s16+$0x410 ss:$0x41] =	vst.msk $0xffff, v50  }
0x23: {  	[tilespmem:s16+$0x820 ss:$0x41] =	vst.msk $0xffff, v51;
	s15 =	sshrl.u32 s28, $0xC  }
0x24: {  	[tilespmem:s16+$0xC30 ss:$0x41] =	vst.msk $0xffff, v52;
	s15 =	smul.u32 $0x7D000, s15  }
0x25: {  	s29 =	sshrl.u32 s12, $0x3;
	[tilespmem:s16+$0x1040 ss:$0x41] =	vst.msk $0xffff, v53  }
0x26: {  	s31 =	sand.u32 $0x7, s12;
	s30 =	sand.u32 $0xF, s29;
	[tilespmem:s16+$0x1450 ss:$0x41] =	vst.msk $0xffff, v54;
	s13 =	ssub.s32 s13, s15  }
0x27: {  	s12 =	sshll.u32 s31, $0x12;
	[tilespmem:s16+$0x1860 ss:$0x41] =	vst.msk $0xffff, v55;
	s15 =	sadd.s32 s6, s30;
	s13 =	sshll.u32 s13, $0x4  }
0x28: {  	s12 =	sor.u32 $0x40, s12;
	[tilespmem:s16+$0x1C70 ss:$0x41] =	vst.msk $0xffff, v56;
	s13 =	sadd.s32 s13, s15  }
0x29: {  	[hbm4b:s13+s12] =	stream.strided.scatter [tilespmem:s14], [sflag:$0x2], $0x4000, s8, s12, $0x18;
	[tilespmem:$0x10200] =	vst v63  }
.LBB1_5:
0x2a: {  	s14 =	sadd.s32 $0x2000, s9  }
0x2b: {  	s12 =	sadd.s32 $0x40, s10;
	s16 =	smov.u32 s10;
	p2 =	sgt.s32 s14, $0x7CFFF  }
0x2c: {  	s16 =	smov.u32 @p2 s12  }
0x2d: {  	s14 =	smov.u32 @p2 s2;
	p2 =	sgt.s32 s16, $0x3F  }
0x2e: {  	s16 =	simm.s32 @p2 $0x0;
	p2 =	sne.s32 s11, s7  }
.Ltmp1:
0x2f: {  	p1 =	slt.u32 s11, $0x2;
	(pc) =	sbr.rel @!p2 .LBB1_6-.Ltmp1, $4  }
0x30: {  	s15 =	simm.s32 @!p1 $0x2  }
0x31: {  	s13 =	smov.u32 s9;
	p0 =	por !p0, !p0;
	_ =	swait.ge @!p1 [sflag:s15], $0x4000  }
0x32: {  	s12 =	smov.u32 s10;
	[sflag:s15] =	ssyncset.done @!p1 $0x0;
	s9 =	smov.u32 s14  }
0x33: {  	s11 =	sadd.s32 $0x1, s11;
	[sflag:s15] =	ssyncadd.s32 @!p1 $0xFFFFC000;
	s10 =	smov.u32 s16  }
.LBB1_1:
0x34: {  	p1 =	sge.u32 s11, s5  }
0x35: {  	s14 =	sshrl.u32 @!p1 s10, $0x3  }
0x36: {  	s15 =	sshll.u32 @!p1 s9, $0x3;
	s16 =	sshll.u32 @!p1 s10, $0x7;
	s14 =	smul.u32 @!p1 $0x3E8000, s14  }
0x37: {  	s17 =	sand.u32 @!p1 $0x7F, s9;
	s15 =	sand.u32 @!p1 $0xFFFFFC00, s15;
	s16 =	sand.u32 @!p1 $0x380, s16  }
0x38: {  	s14 =	sadd.s32 @!p1 s14, s15;
	s15 =	sor.u32 @!p1 s17, s16  }
0x39: {  	s15 =	sor.u32 @!p1 s14, s15  }
0x3a: {  	s16 =	smulhi.u32 @!p1 $0x10624DD3, s15;
	_ =	sdelay $0x1  }
0x3b: {  	s14 =	smulhi.u32 @!p1 $0x10624DD3, s14;
	s16 =	sshrl.u32 @!p1 s16, $0xF  }
0x3c: {  	s16 =	smul.u32 @!p1 $0x7D000, s16  }
0x3d: {  	s31 =	sadd.s32 $0xFFFFFFFF, s11;
	s17 =	sxor.u32 @!p1 $0xFFFFFFFF, s11;
	s14 =	sshrl.u32 @!p1 s14, $0xF  }
0x3e: {  	s17 =	sshll.u32 @!p1 s17, $0xE;
	s14 =	sand.u32 @!p1 $0x3F, s14;
	s15 =	ssub.s32 @!p1 s15, s16  }
0x3f: {  	s14 =	smul.u32 @!p1 $0xFA00, s14;
	s16 =	sshrl.u32 @!p1 s15, $0x3;
	s15 =	sand.u32 @!p1 $0x7, s15  }
0x40: {  	s17 =	sand.u32 @!p1 $0x4000, s17;
	s16 =	sadd.s32 @!p1 s3, s16;
	s15 =	sshll.u32 @!p1 s15, $0x12  }
0x41: {  	s14 =	sadd.s32 @!p1 s14, s16;
	s15 =	sor.u32 @!p1 $0x800, s15;
	s16 =	simm.s32 @!p1 $0x3E8000  }
0x42: {  	[tilespmem:s17], [sflag:$0x1] =	stream.strided.gather @!p1 [hbm4b:s14+s15], $0x4000, s16, s15, $0x38;
	[tilespmem:$0x10200] =	vst v63  }
0x43: {  	p1 =	sge.u32 s31, s5  }
.Ltmp2:
0x44: {  	_ = 	snop;
	(pc) =	sbr.rel @p1 .LBB1_5-.Ltmp2, $1  }
0x45: {  	_ =	sdelay $0x3  }
0x46: {  	s17 =	simm.s32 $0x0  }
0x47: {  	s16 =	sand.u32 $0x3800, s17;
	s18 =	sand.u32 $0x380, s17  }
0x48: {  	s14 =	sand.u32 $0x1, s11;
	s16 =	sor.u32 s18, s16  }
0x49: {  	_ =	swait.ge [sflag:s4], $0x4000;
	s15 =	sshll.u32 s14, $0xE;
	s18 =	sand.u32 $0x3B00, s16  }
0x4a: {  	[sflag:s4] =	ssyncset.done $0x0;
	s17 =	sand.u32 $0x80, s17;
	s18 =	sadd.s32 s18, s15  }
0x4b: {  	[sflag:s4] =	ssyncadd.s32 $0xFFFFC000;
	s20 =	sadd.s32 s17, s18  }
0x4c: {  	v4 =	vld [tilespmem:s20+$0x400]  }
0x4d: {  	s19 =	simm.s32 $0x1;
	v5 =	vld [tilespmem:s20+$0x0]  }
0x4e: {  	s19 =	simm.s32 @!p0 $0x0;
	v6 =	vld [tilespmem:s20+$0x10]  }
0x4f: {  	v0 =	vmov s15;
	s31 =	smul.u32 $0x10400, s19;
	v7 =	vld [tilespmem:s20+$0x20]  }
0x50: {  	v9 =	vld [tilespmem:s20+$0x30]  }
0x51: {  	s17 =	sshrl.u32 s31, $0x2;
	v10 =	vld [tilespmem:s20+$0x40]  }
0x52: {  	s17 =	sor.u32 $0x8000, s17;
	v11 =	vld [tilespmem:s20+$0x50]  }
0x53: {  	v8 =	vld [tilespmem:s20+$0x60];
	s18 =	sadd.s32 $0x0, s17  }
0x54: {  	v1 =	vld.idx.msk [tilespmem:v0+s16+$0x410 ss:$0x1], $0xffff;
	[tilespmem:s18+$0x2080 ss:$0x41] =	vst.msk $0xffff, v4  }
0x55: {  	v2 =	vld.idx.msk [tilespmem:v0+s16+$0x420 ss:$0x1], $0xffff;
	[tilespmem:s18+$0x0 ss:$0x41] =	vst.msk $0xffff, v5  }
0x56: {  	v3 =	vld.idx.msk [tilespmem:v0+s16+$0x430 ss:$0x1], $0xffff;
	[tilespmem:s18+$0x410 ss:$0x41] =	vst.msk $0xffff, v6  }
0x57: {  	s14 =	smul.u32 $0x10400, s14;
	[tilespmem:s18+$0x820 ss:$0x41] =	vst.msk $0xffff, v7;
	v7 =	vld [tilespmem:s20+$0x70]  }
0x58: {  	s21 =	simm.s32 $0x100;
	s22 =	simm.s32 $0x8;
	[tilespmem:s18+$0xC30 ss:$0x41] =	vst.msk $0xffff, v9;
	v4 =	vld.idx.msk [tilespmem:v0+s16+$0x440 ss:$0x1], $0xffff  }
0x59: {  	s23 =	sand.u32 $0x3800, s21;
	s14 =	sshrl.u32 s14, $0x2;
	[tilespmem:s18+$0x1040 ss:$0x41] =	vst.msk $0xffff, v10;
	v5 =	vld.idx.msk [tilespmem:v0+s16+$0x450 ss:$0x1], $0xffff;
	s20 =	simm.s32 $0x80  }
0x5a: {  	s19 =	simm.s32 $0x4;
	s14 =	sor.u32 $0x8000, s14;
	[tilespmem:s18+$0x1450 ss:$0x41] =	vst.msk $0xffff, v11;
	v6 =	vld.idx.msk [tilespmem:v0+s16+$0x460 ss:$0x1], $0xffff;
	s24 =	sand.u32 $0x380, s20  }
.LBB1_3:
0x5b: {  	p1 =	sne.s32 s22, $0xFC;
	[tilespmem:s18+$0x1860 ss:$0x41] =	vst.msk $0xffff, v8;
	v8 =	vld.idx.msk [tilespmem:v0+s16+$0x470 ss:$0x1], $0xffff;
	s16 =	sor.u32 s24, s23  }
0x5c: {  	s23 =	sand.u32 $0x3B00, s16;
	v9 =	vld.idx.msk [tilespmem:v0+s16+$0x410 ss:$0x1], $0xffff;
	[tilespmem:s18+$0x1C70 ss:$0x41] =	vst.msk $0xffff, v7  }
0x5d: {  	s24 =	sand.u32 $0x80, s20;
	s23 =	sadd.s32 s23, s15;
	v7 =	vld.idx.msk [tilespmem:v0+s16+$0x420 ss:$0x1], $0xffff;
	[tilespmem:s18+$0x2490 ss:$0x41] =	vst.msk $0xffff, v1  }
0x5e: {  	s23 =	sadd.s32 s24, s23;
	v10 =	vld.idx.msk [tilespmem:v0+s16+$0x430 ss:$0x1], $0xffff;
	[tilespmem:s18+$0x28A0 ss:$0x41] =	vst.msk $0xffff, v2  }
0x5f: {  	v11 =	vld [tilespmem:s23+$0x400];
	[tilespmem:s18+$0x2CB0 ss:$0x41] =	vst.msk $0xffff, v3  }
0x60: {  	v12 =	vld [tilespmem:s23+$0x0];
	[tilespmem:s18+$0x30C0 ss:$0x41] =	vst.msk $0xffff, v4  }
0x61: {  	v4 =	vld [tilespmem:s23+$0x10];
	[tilespmem:s18+$0x34D0 ss:$0x41] =	vst.msk $0xffff, v5  }
0x62: {  	s24 =	sshra.s32 s19, $0x2;
	s19 =	smov.u32 s22;
	v1 =	vmov v9;
	v5 =	vld [tilespmem:s23+$0x20];
	[tilespmem:s18+$0x38E0 ss:$0x41] =	vst.msk $0xffff, v6  }
0x63: {  	v2 =	vmov v7;
	v6 =	vld [tilespmem:s23+$0x30];
	[tilespmem:s18+$0x3CF0 ss:$0x41] =	vst.msk $0xffff, v8;
	s18 =	sadd.s32 s24, s17  }
0x64: {  	v3 =	vmov v10;
	v9 =	vld [tilespmem:s23+$0x40];
	[tilespmem:s18+$0x2080 ss:$0x41] =	vst.msk $0xffff, v11  }
0x65: {  	[tilespmem:s18+$0x0 ss:$0x41] =	vst.msk $0xffff, v12;
	v10 =	vld [tilespmem:s23+$0x50]  }
.Ltmp3:
0x66: {  	[tilespmem:s18+$0x410 ss:$0x41] =	vst.msk $0xffff, v4;
	v8 =	vld [tilespmem:s23+$0x60];
	(pc) =	sbr.rel @p1 .LBB1_3-.Ltmp3, $4  }
0x67: {  	[tilespmem:s18+$0x820 ss:$0x41] =	vst.msk $0xffff, v5;
	v7 =	vld [tilespmem:s23+$0x70]  }
0x68: {  	[tilespmem:s18+$0xC30 ss:$0x41] =	vst.msk $0xffff, v6;
	v4 =	vld.idx.msk [tilespmem:v0+s16+$0x440 ss:$0x1], $0xffff  }
0x69: {  	s20 =	sadd.s32 $0x80, s20;
	s21 =	sadd.s32 $0x100, s21;
	[tilespmem:s18+$0x1040 ss:$0x41] =	vst.msk $0xffff, v9;
	v5 =	vld.idx.msk [tilespmem:v0+s16+$0x450 ss:$0x1], $0xffff  }
0x6a: {  	s22 =	sadd.s32 $0x4, s22;
	s24 =	sand.u32 $0x380, s20;
	s23 =	sand.u32 $0x3800, s21;
	[tilespmem:s18+$0x1450 ss:$0x41] =	vst.msk $0xffff, v10;
	v6 =	vld.idx.msk [tilespmem:v0+s16+$0x460 ss:$0x1], $0xffff  }
.Ltmp4:
0x6b: {  	_ = 	snop;
	(pc) =	sbr.rel .LBB1_4-.Ltmp4, $1  }
0x6c: {  	_ =	sdelay $0x3  }
.LBB1_6:
0x6d: {  	_ =	sfence.sel $0x180000  }
0x6e: {  	s2 =	simm.s32 $0x1;
	[bflag:$0x0] =	sbarrier.arrive $0xFFFF  }
0x6f: {  	s31 =	simm.s32 $0x2;
	[sflag:s2] =	ssyncpa.u1 $0x1  }
0x70: {  	[sflag:s31] =	ssyncpa.u1 $0x1  }
0x71: {  	p0 =	sne.s32 s0, $0x0;
	_ =	strace $0x9000004A  }
0x72: {  	s0 =	sadd.s32 @!p0 $0x100000, s1;
	[bflag:$0x2] =	sbarrier.arrive $0xFFFF  }
0x73: {  	[sflag:s0] =	ssyncadd.tile.s32 @!p0 $0x1;
	_ =	shalt  }
.Lfunc_end1:
_tile_overlayer_lowered:
.L_overlay_start_2:
0x74: {  	(tag) =	ssettag $0x2  }
0x75: {  	s0 =	rddreg [dreg:$0x0];
	s2 =	stileid.u32  }
0x76: {  	s1 =	rddreg [dreg:$0x1];
	p0 =	sne.s32 s2, $0x0  }
0x77: {  	s3 =	rddreg [dreg:$0x2];
	[bflag:$0x3] =	sbarrier.arrive $0xFFFF;
	s2 =	simm.s32 @!p0 $0x1C01  }
0x78: {  	[timem:s3], [sflag:s2] =	dma.local @!p0 [hbm:s0], s1  }
0x79: {  	s0 =	simm.s32 @!p0 $0x1  }
0x7a: {  	_ =	swait.ge @!p0 [sflag:s0], s1  }
0x7b: {  	s1 =	ssub.s32 @!p0 $0x0, s1;
	[sflag:s0] =	ssyncset.done @!p0 $0x0  }
0x7c: {  	[sflag:s0] =	ssyncadd.s32 @!p0 s1  }
0x7d: {  	[bflag:$0x3] =	sbarrier.arrive $0xFFFF  }
0x7e: {  	_ =	shalt  }

// kernel: sparse-core-data-format-call.cloned.1.call-start
scs
called_computation_lowered:
.L_overlay_start_0:
0x0: {  	s1 =	sld [smem:$0x3FD9]  }
0x1: {  	s2 =	sld [smem:$0x3FFE];
	_ =	sdelay $0x1  }
0x2: {  	s3 =	srdreg.scid  }
0x3: {  	s0 =	sand.u32 $0x1, s3  }
0x4: {  	s17 =	sshll.u32 s0, $0xA;
	s1 =	sadd.s32 s2, s1  }
0x5: {  	s1 =	sadd.s32 s1, s17  }
0x6: {  	[smem:$0x3FC6] =	sst s1  }
0x7: {  	_ = 	snop  }
0x8: {  	(tm) =	ssettm $0x1  }
0x9: {  	s18 =	sld [smem:$0x3FFB];
	_ =	sdelay $0x3  }
0xa: {  	_ =	strace s18  }
0xb: {  	s1 =	sld [smem:$0x3FFC];
	_ =	sdelay $0x3  }
0xc: {  	_ =	strace s1  }
0xd: {  	s1 =	sld [smem:$0x3FFD];
	_ =	sdelay $0x3  }
0xe: {  	_ =	strace s1  }
0xf: {  	_ =	strace $0x8FFFFFFF  }
0x10: {  	s19 =	sld [smem:$0x3FDB];
	_ =	sdelay $0x1  }
0x11: {  	s20 =	simm.s32 $_scs_section_size  }
0x12: {  	s4 =	simm.s32 $_size__tile_overlayer_lowered;
	s5 =	simm.s32 $_tile_overlayer_lowered  }
0x13: {  	s23 =	simm.s32 $0x1BFF;
	s22 =	sshll.u32 s5, $0x1;
	s1 =	sadd.s32 s20, s19  }
0x14: {  	s6 =	simm.s32 $0x0;
	s21 =	sshll.u32 s4, $0x1;
	s4 =	sadd.s32 s22, s1  }
0x15: {  	[timem:s6], [sflag:s23] =	dma.local [hbm:s4], s21  }
0x16: {  	_ =	swait.ge [sflag:s23], s21  }
0x17: {  	s2 =	ssub.s32 $0x0, s21;
	[sflag:s23] =	ssyncset.done $0x0  }
0x18: {  	[sflag:s23] =	ssyncadd.s32 s2;
	_ =	sdelay $0x1  }
0x19: {  	s24 =	simm.s32 $0x1B8B  }
0x1a: {  	_ =	swait.ge [sflag:s24], $0x1  }
0x1b: {  	[sflag:s24] =	ssyncset.done $0x0  }
0x1c: {  	s26 =	simm.s32 $0x1B8E;
	s25 =	sld [smem:$0x3FFE];
	[sflag:s24] =	ssyncadd.s32 $0xFFFFFFFF  }
0x1d: {  	s27 =	simm.s32 $execute0_lowered;
	[smem:$0x3FD2] =	sst s26  }
0x1e: {  	s4 =	sshll.u32 s27, $0x1;
	_ =	strace $0x80000046;
	[dreg:$0x1] =	wrdreg $0xFFFFFFFF  }
0x1f: {  	s28 =	simm.s32 $_size_execute0_lowered;
	s1 =	sadd.s32 s1, s4;
	[dreg:$0x0] =	wrdreg $0x0  }
0x20: {  	s4 =	sshll.u32 s28, $0x1;
	[dreg:$0x2] =	wrdreg s1  }
0x21: {  	[dreg:$0x3] =	wrdreg s4  }
0x22: {  	[dreg:$0x4] =	wrdreg $0xC0  }
0x23: {  	_ =	task [dreg:s6], $0x5FFFF  }
0x24: {  	[dreg:$0x1] =	wrdreg $0xFFFFFFFF  }
0x25: {  	[dreg:$0x0] =	wrdreg $0x60  }
0x26: {  	[dreg:$0x2] =	wrdreg s25  }
0x27: {  	[dreg:$0x3] =	wrdreg $0x9  }
0x28: {  	_ =	task.clear_ibuf [dreg:s6], $0x4FFFF;
	_ =	strace $0x90000046  }
0x29: {  	s29 =	simm.s32 $0x9;
	_ =	strace $0x80000048  }
0x2a: {  	_ =	swait.ge [sflag:s29], $0x1  }
0x2b: {  	[sflag:s29] =	ssyncadd.s32 $0xFFFFFFFF  }
0x2c: {  	_ =	strace $0x90000048  }
0x2d: {  	_ =	sfence  }
0x2e: {  	s30 =	sld [smem:$0x0];
	_ =	sdelay $0x2  }
0x2f: {  	s31 =	sshll.u32 s3, $0xD;
	s3 =	sshrl.u32 s3, $0x2  }
0x30: {  	s2 =	sand.u32 $0x4000, s31;
	s1 =	sadd.s32 s3, s30  }
0x31: {  	s0 =	sor.u32 s2, s0;
	s1 =	sshll.u32 s1, $0x11  }
0x32: {  	s0 =	sor.u32 s1, s0  }
0x33: {  	s0 =	sadd.s32 $0x8F2B, s0  }
0x34: {  	[sflag:s0] =	ssyncadd.remote.s32 $0x1  }
0x35: {  	_ =	sfence.sel $0xFFFF  }
0x36: {  	[dreg:$0x0] =	wrdreg $0xFFFFFFFF;
	(pc) =	sbr.abs _section_cstart, $3  }
0x37: {  	[dreg:$0x1] =	wrdreg $0xFFFFFFFF  }
0x38: {  	_ =	task.clear_ibuf [dreg:s6], $0x2FFFF;
	_ =	strace $0x9FFFFFFF  }
0x39: {  	(tm) =	ssettm $0x7FFFFFFF  }
tec
execute0_lowered:
.L_overlay_start_1:
0x0: {  	(tag) =	ssettag $0x1  }
0x1: {  	s0 =	srdreg.scid  }
0x2: {  	s5 =	rddreg [dreg:$0x0];
	s1 =	stileid.u32;
	s4 =	simm.s32 $0x1  }
0x3: {  	s6 =	simm.s32 $0x2;
	s15 =	simm.s32 $0x0;
	p0 =	por $0x0, $0x0  }
0x4: {  	s8 =	simm.s32 $0x80;
	s14 =	simm.s32 $0x0;
	s2 =	sshll.u32 s0, $0x4  }
0x5: {  	s9 =	simm.s32 $0x0;
	s10 =	simm.s32 $0x0;
	s2 =	sand.u32 $0x10, s2  }
.Ltmp0:
0x6: {  	s12 =	simm.s32 $0x0;
	s3 =	sor.u32 s1, s2;
	(pc) =	sbr.rel .LBB1_1-.Ltmp0, $4  }
0x7: {  	s0 =	rddreg [dreg:$0x1];
	_ =	strace $0x80000047;
	s3 =	sshll.u32 s3, $0x7  }
0x8: {  	s13 =	simm.s32 $0x0;
	[sflag:s4] =	ssyncpa.u1 $0x0;
	s7 =	ssub.s32 $0x77200, s3  }
0x9: {  	s2 =	sadd.s32 $0xC00, s5;
	[sflag:s6] =	ssyncpa.u1 $0x0;
	s6 =	sshrl.u32 s7, $0xC  }
0xa: {  	s5 =	sadd.s32 $0x3BA000, s5;
	s11 =	smov.u32 s3;
	s7 =	sadd.s32 $0x2, s6  }
.LBB1_5:
0xb: {  	p1 =	slt.u32 s13, $0x2  }
0xc: {  	s17 =	smov.u32 s15;
	p2 =	sgt.s32 @!p1 s15, $0x771C0;
	s16 =	sshra.s32 @!p1 s15, $0x1F  }
0xd: {  	p3 =	sgt.s32 @!p1 s14, $0x40;
	s18 =	sshra.s32 @!p1 s14, $0x1F;
	p2 =	por !p2, p1  }
0xe: {  	s15 =	sand.u32 @!p1 s16, s15;
	p3 =	por !p3, p1;
	s16 =	smov.u32 s14  }
0xf: {  	s14 =	sand.u32 @!p1 s18, s14;
	s17 =	simm.s32 @p2 $0x771C0;
	s16 =	simm.s32 @p3 $0x40  }
0x10: {  	s15 =	ssub.s32 @!p1 s17, s15;
	s14 =	ssub.s32 @!p1 s16, s14  }
0x11: {  	s18 =	smov.u32 s12;
	s16 =	sadd.s32 @!p1 $0xFFF88E40, s15;
	s17 =	sadd.s32 @!p1 $0xFFFFFFC0, s14  }
0x12: {  	s15 =	ssub.s32 @!p1 $0x77240, s15;
	p2 =	sgt.s32 @!p1 s16, $0x7F;
	p3 =	sgt.s32 @!p1 s17, $0x3F  }
0x13: {  	s14 =	ssub.s32 @!p1 $0x80, s14;
	p2 =	por !p2, p1;
	p3 =	por !p3, p1  }
0x14: {  	s16 =	sadd.s32 $0x1000, s11;
	s15 =	simm.s32 @!p2 $0x0;
	s14 =	simm.s32 @!p3 $0x0  }
0x15: {  	p2 =	sgt.s32 s16, $0x7723F;
	s14 =	smul.u32 @!p1 s14, s15;
	s15 =	sadd.s32 $0x40, s12  }
0x16: {  	s18 =	smov.u32 @p2 s15  }
0x17: {  	s16 =	smov.u32 @p2 s3;
	p2 =	sgt.s32 s18, $0x3F  }
0x18: {  	s18 =	simm.s32 @p2 $0x0;
	p2 =	sne.s32 s13, s7  }
.Ltmp1:
0x19: {  	p0 =	por !p0, !p0;
	s17 =	simm.s32 @!p1 $0x2;
	(pc) =	sbr.rel @!p2 .LBB1_6-.Ltmp1, $4  }
0x1a: {  	s15 =	smov.u32 s9;
	s9 =	smov.u32 s11;
	s14 =	sand.u32 @!p1 $0x3FFFFFFF, s14  }
0x1b: {  	s11 =	smov.u32 s16;
	_ =	swait.ge @!p1 [sflag:s17], s14;
	s19 =	ssub.s32 @!p1 $0x0, s14  }
0x1c: {  	s14 =	smov.u32 s10;
	s13 =	sadd.s32 $0x1, s13;
	[sflag:s17] =	ssyncset.done @!p1 $0x0  }
0x1d: {  	s10 =	smov.u32 s12;
	s12 =	smov.u32 s18;
	[sflag:s17] =	ssyncadd.s32 @!p1 s19  }
.LBB1_1:
0x1e: {  	p1 =	sgt.u32 s13, s6  }
0x1f: {  	s16 =	sshrl.u32 @!p1 s12, $0x3  }
0x20: {  	s17 =	sshll.u32 @!p1 s11, $0x3;
	s16 =	smul.u32 @!p1 $0x3B9400, s16  }
0x21: {  	s18 =	sshll.u32 @!p1 s12, $0x7;
	s17 =	sand.u32 @!p1 $0xFFFFFC00, s17  }
0x22: {  	s16 =	sadd.s32 @!p1 s16, s17;
	s17 =	sand.u32 @!p1 $0x380, s18  }
0x23: {  	s16 =	sor.u32 @!p1 s17, s16  }
0x24: {  	s17 =	sshrl.u32 @!p1 s16, $0x7  }
0x25: {  	s17 =	smulhi.u32 @!p1 $0x2260023, s17;
	_ =	sdelay $0x1  }
0x26: {  	s17 =	sshrl.u32 @!p1 s17, $0x5  }
0x27: {  	s18 =	sand.u32 @!p1 $0x7F, s11;
	s19 =	smul.u32 @!p1 $0x77280, s17  }
0x28: {  	s16 =	sor.u32 @!p1 s18, s16;
	s18 =	sxor.u32 @!p1 $0xFFFFFFFF, s13  }
0x29: {  	s18 =	sshll.u32 @!p1 s18, $0xD;
	s17 =	sand.u32 @!p1 $0x3F, s17;
	s16 =	ssub.s32 @!p1 s16, s19  }
0x2a: {  	s17 =	smul.u32 @!p1 $0xEE50, s17;
	s19 =	sshrl.u32 @!p1 s16, $0x3;
	s16 =	sand.u32 @!p1 $0x7, s16  }
0x2b: {  	s18 =	sand.u32 @!p1 $0x2000, s18;
	s19 =	sadd.s32 @!p1 s2, s19;
	s16 =	sshll.u32 @!p1 s16, $0x12  }
0x2c: {  	s17 =	sadd.s32 @!p1 s17, s19;
	s16 =	sor.u32 @!p1 $0x400, s16;
	s19 =	simm.s32 @!p1 $0x3B9400  }
0x2d: {  	[tilespmem:s18], [sflag:$0x1] =	stream.strided.gather @!p1 [hbm4b:s17+s16], $0x2000, s19, s16, $0x38;
	[tilespmem:$0x8100] =	vst v63  }
0x2e: {  	p1 =	seq.s32 s13, $0x0  }
0x2f: {  	p2 =	sge.u32 @!p1 s13, s7  }
0x30: {  	p1 =	por p1, p2  }
.Ltmp2:
0x31: {  	_ = 	snop;
	(pc) =	sbr.rel @p1 .LBB1_5-.Ltmp2, $1  }
0x32: {  	_ =	sdelay $0x3  }
0x33: {  	s16 =	simm.s32 $0x1  }
0x34: {  	_ =	swait.ge [sflag:s4], $0x2000;
	s16 =	simm.s32 @!p0 $0x0  }
0x35: {  	[sflag:s4] =	ssyncset.done $0x0;
	s17 =	sshll.u32 s16, $0xD  }
0x36: {  	[sflag:s4] =	ssyncadd.s32 $0xFFFFE000;
	s17 =	sor.u32 $0x40, s17  }
0x37: {  	s16 =	smul.u32 $0x8200, s16;
	v0 =	vld [tilespmem:s17+$0x30]  }
0x38: {  	v1 =	vld [tilespmem:s17+$0xFFFFFFD0]  }
0x39: {  	s16 =	sshrl.u32 s16, $0x2;
	v5 =	vld [tilespmem:s17+$0xFFFFFFE0]  }
0x3a: {  	v6 =	vld [tilespmem:s17+$0xFFFFFFF0];
	s19 =	sor.u32 $0x4000, s16  }
0x3b: {  	s31 =	sand.u32 $0x1, s13;
	v4 =	vld [tilespmem:s17+$0x0];
	s18 =	sadd.s32 $0x0, s19  }
0x3c: {  	v3 =	vld [tilespmem:s17+$0x10];
	s16 =	smul.u32 $0x8200, s31;
	[tilespmem:s18+$0x1C70 ss:$0x41] =	vst.msk $0xffff, v0  }
0x3d: {  	v2 =	vld [tilespmem:s17+$0x20];
	[tilespmem:s18+$0x410 ss:$0x41] =	vst.msk $0xffff, v1  }
0x3e: {  	s16 =	sshrl.u32 s16, $0x2;
	v1 =	vld [tilespmem:s17+$0xFFFFFFC0];
	[tilespmem:s18+$0x820 ss:$0x41] =	vst.msk $0xffff, v5;
	s17 =	sadd.s32 $0x80, s17  }
0x3f: {  	s20 =	simm.s32 $0x4;
	s21 =	simm.s32 $0x8;
	s16 =	sor.u32 $0x4000, s16;
	[tilespmem:s18+$0xC30 ss:$0x41] =	vst.msk $0xffff, v6;
	v0 =	vld [tilespmem:s17+$0x30]  }
.LBB1_3:
0x40: {  	p1 =	sne.s32 s21, $0xFC;
	v5 =	vld [tilespmem:s17+$0xFFFFFFD0];
	[tilespmem:s18+$0x1040 ss:$0x41] =	vst.msk $0xffff, v4  }
0x41: {  	v6 =	vld [tilespmem:s17+$0xFFFFFFE0];
	[tilespmem:s18+$0x1450 ss:$0x41] =	vst.msk $0xffff, v3  }
0x42: {  	s22 =	sshra.s32 s20, $0x2;
	s20 =	smov.u32 s21;
	v7 =	vld [tilespmem:s17+$0xFFFFFFF0];
	[tilespmem:s18+$0x1860 ss:$0x41] =	vst.msk $0xffff, v2  }
.Ltmp3:
0x43: {  	v4 =	vld [tilespmem:s17+$0x0];
	[tilespmem:s18+$0x0 ss:$0x41] =	vst.msk $0xffff, v1;
	s18 =	sadd.s32 s22, s19;
	(pc) =	sbr.rel @p1 .LBB1_3-.Ltmp3, $4  }
0x44: {  	v3 =	vld [tilespmem:s17+$0x10];
	[tilespmem:s18+$0x1C70 ss:$0x41] =	vst.msk $0xffff, v0  }
0x45: {  	[tilespmem:s18+$0x410 ss:$0x41] =	vst.msk $0xffff, v5;
	v2 =	vld [tilespmem:s17+$0x20]  }
0x46: {  	v1 =	vld [tilespmem:s17+$0xFFFFFFC0];
	[tilespmem:s18+$0x820 ss:$0x41] =	vst.msk $0xffff, v6;
	s17 =	sadd.s32 $0x80, s17  }
0x47: {  	s21 =	sadd.s32 $0x4, s21;
	v0 =	vld [tilespmem:s17+$0x30];
	[tilespmem:s18+$0xC30 ss:$0x41] =	vst.msk $0xffff, v7  }
0x48: {  	s21 =	sshll.u32 s9, $0x7;
	s22 =	sshll.u32 s10, $0x3;
	s20 =	sshra.s32 s20, $0x2  }
0x49: {  	p1 =	sgt.s32 s9, $0x771C0;
	s30 =	sshra.s32 s9, $0x1F;
	s25 =	sshra.s32 s10, $0x1F  }
0x4a: {  	v5 =	vld [tilespmem:s17+$0xFFFFFFD0];
	s28 =	sshrl.u32 s10, $0x3;
	s23 =	sand.u32 $0xFFFFFC00, s21;
	s22 =	sand.u32 $0xFFFFFC00, s22  }
0x4b: {  	[tilespmem:s18+$0x1040 ss:$0x41] =	vst.msk $0xffff, v4;
	v58 =	vld [tilespmem:s17+$0xFFFFFFE0];
	s21 =	sand.u32 $0x380, s21;
	s19 =	sadd.s32 s20, s19;
	s22 =	sadd.s32 s22, s23  }
0x4c: {  	v59 =	vld [tilespmem:s17+$0xFFFFFFF0];
	[tilespmem:s18+$0x1450 ss:$0x41] =	vst.msk $0xffff, v3;
	s29 =	sor.u32 s21, s22;
	s21 =	smov.u32 s9;
	s22 =	sand.u32 s30, s9  }
0x4d: {  	v60 =	vld [tilespmem:s17+$0x0];
	[tilespmem:s18+$0x1860 ss:$0x41] =	vst.msk $0xffff, v2;
	s30 =	sand.u32 $0x7, s10;
	s20 =	sshrl.u32 s29, $0x7;
	s21 =	simm.s32 @!p1 $0x771C0  }
0x4e: {  	v61 =	vld [tilespmem:s17+$0x10];
	[tilespmem:s18+$0x0 ss:$0x41] =	vst.msk $0xffff, v1;
	p1 =	sgt.s32 s10, $0x40;
	s24 =	ssub.s32 s21, s22;
	s21 =	smov.u32 s10  }
0x4f: {  	v62 =	vld [tilespmem:s17+$0x20];
	[tilespmem:s19+$0x1C70 ss:$0x41] =	vst.msk $0xffff, v0;
	s31 =	smulhi.u32 $0x113094D, s20;
	s22 =	sand.u32 s25, s10;
	s21 =	simm.s32 @!p1 $0x40  }
0x50: {  	v63 =	vld [tilespmem:s17+$0xFFFFFFC0];
	[tilespmem:s19+$0x410 ss:$0x41] =	vst.msk $0xffff, v5;
	s26 =	sadd.s32 $0xFFF88E40, s24;
	s17 =	ssub.s32 $0x77240, s24;
	s21 =	ssub.s32 s21, s22  }
0x51: {  	[tilespmem:s19+$0x820 ss:$0x41] =	vst.msk $0xffff, v58;
	s23 =	sshrl.u32 s31, $0xB;
	p1 =	sgt.s32 s26, $0x7F;
	s27 =	sadd.s32 $0xFFFFFFC0, s21  }
0x52: {  	[tilespmem:s19+$0xC30 ss:$0x41] =	vst.msk $0xffff, v59;
	s23 =	smul.u32 $0x77240, s23;
	s18 =	ssub.s32 $0x80, s21;
	p2 =	sgt.s32 s27, $0x3F  }
.Ltmp4:
0x53: {  	[tilespmem:s19+$0x1040 ss:$0x41] =	vst.msk $0xffff, v60;
	s17 =	simm.s32 @p1 $0x0;
	s18 =	simm.s32 @p2 $0x0;
	(pc) =	sbr.rel .LBB1_5-.Ltmp4, $4  }
0x54: {  	s29 =	sand.u32 $0xF, s28;
	[tilespmem:s19+$0x1450 ss:$0x41] =	vst.msk $0xffff, v61;
	s20 =	ssub.s32 s20, s23;
	s17 =	smul.u32 s18, s17  }
0x55: {  	[tilespmem:s19+$0x1860 ss:$0x41] =	vst.msk $0xffff, v62;
	s21 =	sshll.u32 s30, $0x12;
	s20 =	sshll.u32 s20, $0x4;
	s18 =	sadd.s32 s5, s29  }
0x56: {  	[tilespmem:s19+$0x0 ss:$0x41] =	vst.msk $0xffff, v63;
	s31 =	sor.u32 $0x40, s21;
	s18 =	sadd.s32 s20, s18;
	s17 =	sand.u32 $0x3FFFFFFF, s17  }
0x57: {  	[hbm4b:s18+s31] =	stream.strided.scatter [tilespmem:s16], [sflag:$0x2], s17, s8, s31, $0x18;
	[tilespmem:$0x8100] =	vst v63  }
.LBB1_6:
0x58: {  	_ =	sfence.sel $0x180000  }
0x59: {  	s2 =	simm.s32 $0x1;
	[bflag:$0x0] =	sbarrier.arrive $0xFFFF  }
0x5a: {  	s31 =	simm.s32 $0x2;
	[sflag:s2] =	ssyncpa.u1 $0x1  }
0x5b: {  	[sflag:s31] =	ssyncpa.u1 $0x1  }
0x5c: {  	p0 =	sne.s32 s1, $0x0;
	_ =	strace $0x90000047  }
0x5d: {  	s0 =	sadd.s32 @!p0 $0x100000, s0;
	[bflag:$0x2] =	sbarrier.arrive $0xFFFF  }
0x5e: {  	[sflag:s0] =	ssyncadd.tile.s32 @!p0 $0x1;
	_ =	shalt  }
.Lfunc_end1:
_tile_overlayer_lowered:
.L_overlay_start_2:
0x5f: {  	(tag) =	ssettag $0x2  }
0x60: {  	s0 =	rddreg [dreg:$0x0];
	s2 =	stileid.u32  }
0x61: {  	s1 =	rddreg [dreg:$0x1];
	p0 =	sne.s32 s2, $0x0  }
0x62: {  	s3 =	rddreg [dreg:$0x2];
	[bflag:$0x3] =	sbarrier.arrive $0xFFFF;
	s2 =	simm.s32 @!p0 $0x1C01  }
0x63: {  	[timem:s3], [sflag:s2] =	dma.local @!p0 [hbm:s0], s1  }
0x64: {  	s0 =	simm.s32 @!p0 $0x1  }
0x65: {  	_ =	swait.ge @!p0 [sflag:s0], s1  }
0x66: {  	s1 =	ssub.s32 @!p0 $0x0, s1;
	[sflag:s0] =	ssyncset.done @!p0 $0x0  }
0x67: {  	[sflag:s0] =	ssyncadd.s32 @!p0 s1  }
0x68: {  	[bflag:$0x3] =	sbarrier.arrive $0xFFFF  }
0x69: {  	_ =	shalt  }

</sc_bundles>
